<compile_context>
chip_gen: v7x
topology: tpu7x:2x2x1
jax: 0.10.2.dev20260603
libtpu: 0.0.44.dev20260713+nightly
codegen_flags: <defaults>
</compile_context>

<pallas_src>
import functools

import jax
import jax.numpy as jnp
from jax import lax
from jax.experimental import pallas as pl
from jax.experimental.pallas import tpu as pltpu
from jax.experimental.pallas import tpu_sc as plsc

D_MODEL = 1024
D_FF = 4096
E = 16
TOP_K = 2
N_TOK = 64
T_FF = 1024

_NS = plsc.get_sparse_core_info().num_subcores
_TOK_PER_TILE = N_TOK // _NS


def _logits_kernel(x_ref, rw_ref, out_ref):
    out_ref[...] = jax.lax.dot_general(
        x_ref[...], rw_ref[...], (((1,), (1,)), ((), ())),
        preferred_element_type=jnp.float32)


def _router_logits(x, router_w):
    return pl.pallas_call(
        _logits_kernel,
        out_shape=jax.ShapeDtypeStruct((N_TOK, E), jnp.float32),
    )(x, router_w)


def _gates_sc(logits):
    mesh = plsc.VectorSubcoreMesh(
        core_axis_name="c", subcore_axis_name="s", num_cores=1)

    @functools.partial(
        pl.kernel,
        mesh=mesh,
        out_type=jax.ShapeDtypeStruct((N_TOK, E), jnp.float32),
        scratch_types=[
            pltpu.VMEM((_TOK_PER_TILE, E), jnp.float32),
            pltpu.VMEM((_TOK_PER_TILE, E), jnp.float32),
        ],
    )
    def gates_kernel(logits_hbm, out_hbm, buf_in, buf_out):
        base = lax.axis_index("s") * _TOK_PER_TILE
        pltpu.sync_copy(logits_hbm.at[pl.ds(base, _TOK_PER_TILE)], buf_in)
        eids = lax.iota(jnp.int32, E)
        dnums = lax.GatherDimensionNumbers(
            offset_dims=(), collapsed_slice_dims=(0,), start_index_map=(0,))

        def _shuffle(v, idx):
            return lax.gather(
                v, idx[:, None], dnums, slice_sizes=(1,),
                mode=lax.GatherScatterMode.PROMISE_IN_BOUNDS)

        def _allreduce(v, op):
            for s in (1, 2, 4, 8):
                v = op(v, _shuffle(v, jnp.bitwise_xor(eids, s)))
            return v

        for i in range(_TOK_PER_TILE):
            row = buf_in[i, :]
            l1 = _allreduce(row, jnp.maximum)
            i1 = _allreduce(jnp.where(row == l1, eids, E), jnp.minimum)
            masked = jnp.where(eids == i1, -jnp.inf, row)
            l2 = _allreduce(masked, jnp.maximum)
            i2 = _allreduce(jnp.where(masked == l2, eids, E), jnp.minimum)
            w1 = 1.0 / (1.0 + jnp.exp(l2 - l1))
            buf_out[i, :] = (jnp.where(eids == i1, w1, 0.0)
                             + jnp.where(eids == i2, 1.0 - w1, 0.0))
        pltpu.sync_copy(buf_out, out_hbm.at[pl.ds(base, _TOK_PER_TILE)])

    return gates_kernel(logits)


def _ffn_kernel(x_ref, gin_ref, gw_ref, uw_ref, dw_ref, out_ref, gates_ref):
    e = pl.program_id(0)
    t = pl.program_id(1)

    @pl.when((e == 0) & (t == 0))
    def _init():
        gates_ref[...] = gin_ref[...].T
        out_ref[...] = jnp.zeros_like(out_ref)

    g = gates_ref[e, :]
    xe = x_ref[...] * g[:, None]
    gate = jax.lax.dot_general(
        xe, gw_ref[0], (((1,), (1,)), ((), ())),
        preferred_element_type=jnp.float32)
    up = jax.lax.dot_general(
        xe, uw_ref[0], (((1,), (1,)), ((), ())),
        preferred_element_type=jnp.float32)
    gate = jnp.clip(gate, -10.0, 10.0)
    hidden = jax.nn.silu(gate) * up
    out_ref[...] += jax.lax.dot_general(
        hidden, dw_ref[0], (((1,), (1,)), ((), ())),
        preferred_element_type=jnp.float32)


def _ffn(x, gates, gate_up_w, down_w):
    n_t = D_FF // T_FF
    grid = (E, n_t)
    return pl.pallas_call(
        _ffn_kernel,
        grid=grid,
        in_specs=[
            pl.BlockSpec((N_TOK, D_MODEL), lambda e, t: (0, 0)),
            pl.BlockSpec((N_TOK, E), lambda e, t: (0, 0)),
            pl.BlockSpec((1, T_FF, D_MODEL), lambda e, t: (e, t, 0)),
            pl.BlockSpec((1, T_FF, D_MODEL), lambda e, t: (e, t + n_t, 0)),
            pl.BlockSpec((1, D_MODEL, T_FF), lambda e, t: (e, 0, t)),
        ],
        out_specs=pl.BlockSpec((N_TOK, D_MODEL), lambda e, t: (0, 0)),
        out_shape=jax.ShapeDtypeStruct((N_TOK, D_MODEL), jnp.float32),
        scratch_shapes=[pltpu.VMEM((E, N_TOK), jnp.float32)],
        compiler_params=pltpu.CompilerParams(
            dimension_semantics=("arbitrary", "arbitrary")),
    )(x, gates, gate_up_w, gate_up_w, down_w)


@jax.jit
def kernel(x, router_w, gate_up_w, down_w):
    logits = _router_logits(x, router_w)
    gates = _gates_sc(logits)
    return _ffn(x, gates, gate_up_w, down_w)

# --- scband reference (transcript-rebuilt; emitter-appended) ---
"""Pipeline reference for scband-mo-efeed-forward-33045478376031 (READ-ONLY COPY).

The authoritative reference and input builder live on the scoring server;
editing this copy changes nothing except your own understanding.
"""

import jax, jax.numpy as jnp
import numpy as np

D_MODEL = 1024
D_FF = 4096
E = 16
TOP_K = 2
N_TOK = 64


def _xavier_uniform(key, shape, fan_in, fan_out):
    limit = float(np.sqrt(6.0 / (fan_in + fan_out)))
    return jax.random.uniform(key, shape, jnp.float32, -limit, limit)


def setup_inputs(seed: int = 0) -> dict:
    key = jax.random.key(seed)
    k0, k1, k2, k3 = jax.random.split(key, 4)
    x = jax.random.normal(k0, (N_TOK, D_MODEL), jnp.float32)
    # router: Linear(d_model -> num_experts), torch weight layout [E, d_model]
    router_w = _xavier_uniform(k1, (E, D_MODEL), D_MODEL, E)
    # per-expert SwiGLU: gate_up_proj.weight [2*d_ff, d_model], down_proj.weight [d_model, d_ff]
    gate_up_w = _xavier_uniform(k2, (E, 2 * D_FF, D_MODEL), D_MODEL, 2 * D_FF)
    down_w = _xavier_uniform(k3, (E, D_MODEL, D_FF), D_FF, D_MODEL)
    return {"x": x, "router_w": router_w, "gate_up_w": gate_up_w, "down_w": down_w}


def reference(x, router_w, gate_up_w, down_w):
    # router: logits -> softmax -> top_k -> renormalize
    logits = x @ router_w.T                      # [N, E]
    probs = jax.nn.softmax(logits, axis=-1)
    top_v, top_i = jax.lax.top_k(probs, TOP_K)   # [N, K]
    top_v = top_v / jnp.sum(top_v, axis=-1, keepdims=True)

    # dispatch: gate applied to token BEFORE expert (matches TritonMoEDispatcher),
    # then SwiGLU expert, then scatter-add combine.
    out = jnp.zeros_like(x)
    for e in range(E):
        mask = (top_i == e).astype(x.dtype)      # [N, K]
        g = jnp.sum(top_v * mask, axis=-1)       # [N]
        xe = x * g[:, None]                      # weighted tokens; 0 rows -> 0 output (no bias)
        gu = xe @ gate_up_w[e].T                 # [N, 2*D_FF]
        gate, up = jnp.split(gu, 2, axis=-1)
        gate = jnp.clip(gate, -10.0, 10.0)
        hidden = jax.nn.silu(gate) * up
        out = out + hidden @ down_w[e].T
    return out

if __name__ == "__main__":
    import jax
    _d = setup_inputs()
    print(jax.jit(kernel)(*tuple(_d.values())))

</pallas_src>

<mosaic_0001>
#map = affine_map<(d0, d1) -> (0, 0)>
module attributes {stable_mosaic.version = 14 : i64} {
  func.func @gates_kernel(%arg0: i32, %arg1: i32, %arg2: memref<64x16xf32, #tpu.memory_space<hbm>>, %arg3: memref<64x16xf32, #tpu.memory_space<hbm>>, %arg4: memref<4x16xf32, #tpu.memory_space<vmem>>, %arg5: memref<4x16xf32, #tpu.memory_space<vmem>>) attributes {dimension_semantics = [#tpu.dimension_semantics<core_parallel>, #tpu.dimension_semantics<subcore_parallel>], iteration_bounds = array<i64: 1, 16>, scalar_prefetch = 0 : i64, scratch_operands = 2 : i64, tpu.core_type = #tpu.core_type<sc_vector_subcore>, window_params = [{transform_indices = #map}, {transform_indices = #map}]} {
    %mul3A = arith.constant 4 : i32
    %mul3A_0 = arith.muli %arg1, %mul3A : i32
    "tpu.region"() ({
      %run_scoped3A = tpu.sem_alloc : memref<!tpu.dma_semaphore, #tpu.memory_space<semaphore_mem>>
      %dma_start3A = arith.constant 0 : i32
      %dma_start3A_607 = tpu.memref_slice %arg2[%mul3A_0, %dma_start3A] : memref<64x16xf32, #tpu.memory_space<hbm>> -> memref<4x16xf32, #tpu.memory_space<hbm>>
      %dma_start3A_608 = arith.constant 0 : i32
      %dma_start3A_609 = tpu.memref_slice %arg2[%mul3A_0, %dma_start3A_608] : memref<64x16xf32, #tpu.memory_space<hbm>> -> memref<4x16xf32, #tpu.memory_space<hbm>>
      tpu.enqueue_dma source(%dma_start3A_609 : memref<4x16xf32, #tpu.memory_space<hbm>>) target(%arg4 : memref<4x16xf32, #tpu.memory_space<vmem>>) target_semaphore(%run_scoped3A : memref<!tpu.dma_semaphore, #tpu.memory_space<semaphore_mem>>)
      %dma_wait3A = arith.constant 0 : i32
      %dma_wait3A_610 = tpu.memref_slice %arg2[%mul3A_0, %dma_wait3A] : memref<64x16xf32, #tpu.memory_space<hbm>> -> memref<4x16xf32, #tpu.memory_space<hbm>>
      %dma_wait3A_611 = arith.constant 0 : i32
      %dma_wait3A_612 = tpu.memref_slice %arg2[%mul3A_0, %dma_wait3A_611] : memref<64x16xf32, #tpu.memory_space<hbm>> -> memref<4x16xf32, #tpu.memory_space<hbm>>
      tpu.wait_dma2 semaphore(%run_scoped3A : memref<!tpu.dma_semaphore, #tpu.memory_space<semaphore_mem>>) src(%dma_wait3A_612 : memref<4x16xf32, #tpu.memory_space<hbm>>) dst(%arg4 : memref<4x16xf32, #tpu.memory_space<vmem>>)
      tpu.yield
    }) : () -> ()
    %iota3A = tpu.iota {dimensions = array<i32: 0>} : vector<16xi32>
    %get3A = arith.constant 0 : i32
    %get3A_1 = arith.index_cast %get3A : i32 to index
    %get3A_2 = arith.constant 0 : index
    %get3A_3 = tpu.vector_load %arg4[%get3A_1, %get3A_2] {strides = array<i32>} : memref<4x16xf32, #tpu.memory_space<vmem>>, vector<1x16xf32>,
    %get3A_4 = vector.shape_cast %get3A_3 : vector<1x16xf32> to vector<16xf32>
    %xor3A = arith.constant 1 : i32
    %xor3A_5 = vector.broadcast %xor3A : i32 to vector<16xi32>
    %xor3A_6 = arith.xori %iota3A, %xor3A_5 : vector<16xi32>
    %broadcast_in_dim3A = vector.shape_cast %xor3A_6 : vector<16xi32> to vector<16x1xi32>
    %gather3A = vector.shape_cast %broadcast_in_dim3A : vector<16x1xi32> to vector<16xi32>
    %gather3A_7 = tpu.dynamic_gather %get3A_4[%gather3A] in [0] : vector<16xf32>, vector<16xi32> -> vector<16xf32>
    %max3A = arith.maximumf %get3A_4, %gather3A_7 : vector<16xf32>
    %xor3A_8 = arith.constant 2 : i32
    %xor3A_9 = vector.broadcast %xor3A_8 : i32 to vector<16xi32>
    %xor3A_10 = arith.xori %iota3A, %xor3A_9 : vector<16xi32>
    %broadcast_in_dim3A_11 = vector.shape_cast %xor3A_10 : vector<16xi32> to vector<16x1xi32>
    %gather3A_12 = vector.shape_cast %broadcast_in_dim3A_11 : vector<16x1xi32> to vector<16xi32>
    %gather3A_13 = tpu.dynamic_gather %max3A[%gather3A_12] in [0] : vector<16xf32>, vector<16xi32> -> vector<16xf32>
    %max3A_14 = arith.maximumf %max3A, %gather3A_13 : vector<16xf32>
    %xor3A_15 = arith.constant 4 : i32
    %xor3A_16 = vector.broadcast %xor3A_15 : i32 to vector<16xi32>
    %xor3A_17 = arith.xori %iota3A, %xor3A_16 : vector<16xi32>
    %broadcast_in_dim3A_18 = vector.shape_cast %xor3A_17 : vector<16xi32> to vector<16x1xi32>
    %gather3A_19 = vector.shape_cast %broadcast_in_dim3A_18 : vector<16x1xi32> to vector<16xi32>
    %gather3A_20 = tpu.dynamic_gather %max3A_14[%gather3A_19] in [0] : vector<16xf32>, vector<16xi32> -> vector<16xf32>
    %max3A_21 = arith.maximumf %max3A_14, %gather3A_20 : vector<16xf32>
    %xor3A_22 = arith.constant 8 : i32
    %xor3A_23 = vector.broadcast %xor3A_22 : i32 to vector<16xi32>
    %xor3A_24 = arith.xori %iota3A, %xor3A_23 : vector<16xi32>
    %broadcast_in_dim3A_25 = vector.shape_cast %xor3A_24 : vector<16xi32> to vector<16x1xi32>
    %gather3A_26 = vector.shape_cast %broadcast_in_dim3A_25 : vector<16x1xi32> to vector<16xi32>
    %gather3A_27 = tpu.dynamic_gather %max3A_21[%gather3A_26] in [0] : vector<16xf32>, vector<16xi32> -> vector<16xf32>
    %max3A_28 = arith.maximumf %max3A_21, %gather3A_27 : vector<16xf32>
    %eq3A = arith.cmpf oeq, %get3A_4, %max3A_28 : vector<16xf32>
    %jit3A = arith.constant 16 : i32
    %broadcast_in_dim3A_29 = vector.broadcast %jit3A : i32 to vector<16xi32>
    %select_n3A = arith.select %eq3A, %iota3A, %broadcast_in_dim3A_29 : vector<16xi1>, vector<16xi32>
    %xor3A_30 = arith.constant 1 : i32
    %xor3A_31 = vector.broadcast %xor3A_30 : i32 to vector<16xi32>
    %xor3A_32 = arith.xori %iota3A, %xor3A_31 : vector<16xi32>
    %broadcast_in_dim3A_33 = vector.shape_cast %xor3A_32 : vector<16xi32> to vector<16x1xi32>
    %gather3A_34 = vector.shape_cast %broadcast_in_dim3A_33 : vector<16x1xi32> to vector<16xi32>
    %gather3A_35 = tpu.dynamic_gather %select_n3A[%gather3A_34] in [0] : vector<16xi32>, vector<16xi32> -> vector<16xi32>
    %min3A = arith.minsi %select_n3A, %gather3A_35 : vector<16xi32>
    %xor3A_36 = arith.constant 2 : i32
    %xor3A_37 = vector.broadcast %xor3A_36 : i32 to vector<16xi32>
    %xor3A_38 = arith.xori %iota3A, %xor3A_37 : vector<16xi32>
    %broadcast_in_dim3A_39 = vector.shape_cast %xor3A_38 : vector<16xi32> to vector<16x1xi32>
    %gather3A_40 = vector.shape_cast %broadcast_in_dim3A_39 : vector<16x1xi32> to vector<16xi32>
    %gather3A_41 = tpu.dynamic_gather %min3A[%gather3A_40] in [0] : vector<16xi32>, vector<16xi32> -> vector<16xi32>
    %min3A_42 = arith.minsi %min3A, %gather3A_41 : vector<16xi32>
    %xor3A_43 = arith.constant 4 : i32
    %xor3A_44 = vector.broadcast %xor3A_43 : i32 to vector<16xi32>
    %xor3A_45 = arith.xori %iota3A, %xor3A_44 : vector<16xi32>
    %broadcast_in_dim3A_46 = vector.shape_cast %xor3A_45 : vector<16xi32> to vector<16x1xi32>
    %gather3A_47 = vector.shape_cast %broadcast_in_dim3A_46 : vector<16x1xi32> to vector<16xi32>
    %gather3A_48 = tpu.dynamic_gather %min3A_42[%gather3A_47] in [0] : vector<16xi32>, vector<16xi32> -> vector<16xi32>
    %min3A_49 = arith.minsi %min3A_42, %gather3A_48 : vector<16xi32>
    %xor3A_50 = arith.constant 8 : i32
    %xor3A_51 = vector.broadcast %xor3A_50 : i32 to vector<16xi32>
    %xor3A_52 = arith.xori %iota3A, %xor3A_51 : vector<16xi32>
    %broadcast_in_dim3A_53 = vector.shape_cast %xor3A_52 : vector<16xi32> to vector<16x1xi32>
    %gather3A_54 = vector.shape_cast %broadcast_in_dim3A_53 : vector<16x1xi32> to vector<16xi32>
    %gather3A_55 = tpu.dynamic_gather %min3A_49[%gather3A_54] in [0] : vector<16xi32>, vector<16xi32> -> vector<16xi32>
    %min3A_56 = arith.minsi %min3A_49, %gather3A_55 : vector<16xi32>
    %eq3A_57 = arith.cmpi eq, %iota3A, %min3A_56 : vector<16xi32>
    %jit3A_58 = arith.constant 0xFF800000 : f32
    %broadcast_in_dim3A_59 = vector.broadcast %jit3A_58 : f32 to vector<16xf32>
    %select_n3A_60 = arith.select %eq3A_57, %broadcast_in_dim3A_59, %get3A_4 : vector<16xi1>, vector<16xf32>
    %xor3A_61 = arith.constant 1 : i32
    %xor3A_62 = vector.broadcast %xor3A_61 : i32 to vector<16xi32>
    %xor3A_63 = arith.xori %iota3A, %xor3A_62 : vector<16xi32>
    %broadcast_in_dim3A_64 = vector.shape_cast %xor3A_63 : vector<16xi32> to vector<16x1xi32>
    %gather3A_65 = vector.shape_cast %broadcast_in_dim3A_64 : vector<16x1xi32> to vector<16xi32>
    %gather3A_66 = tpu.dynamic_gather %select_n3A_60[%gather3A_65] in [0] : vector<16xf32>, vector<16xi32> -> vector<16xf32>
    %max3A_67 = arith.maximumf %select_n3A_60, %gather3A_66 : vector<16xf32>
    %xor3A_68 = arith.constant 2 : i32
    %xor3A_69 = vector.broadcast %xor3A_68 : i32 to vector<16xi32>
    %xor3A_70 = arith.xori %iota3A, %xor3A_69 : vector<16xi32>
    %broadcast_in_dim3A_71 = vector.shape_cast %xor3A_70 : vector<16xi32> to vector<16x1xi32>
    %gather3A_72 = vector.shape_cast %broadcast_in_dim3A_71 : vector<16x1xi32> to vector<16xi32>
    %gather3A_73 = tpu.dynamic_gather %max3A_67[%gather3A_72] in [0] : vector<16xf32>, vector<16xi32> -> vector<16xf32>
    %max3A_74 = arith.maximumf %max3A_67, %gather3A_73 : vector<16xf32>
    %xor3A_75 = arith.constant 4 : i32
    %xor3A_76 = vector.broadcast %xor3A_75 : i32 to vector<16xi32>
    %xor3A_77 = arith.xori %iota3A, %xor3A_76 : vector<16xi32>
    %broadcast_in_dim3A_78 = vector.shape_cast %xor3A_77 : vector<16xi32> to vector<16x1xi32>
    %gather3A_79 = vector.shape_cast %broadcast_in_dim3A_78 : vector<16x1xi32> to vector<16xi32>
    %gather3A_80 = tpu.dynamic_gather %max3A_74[%gather3A_79] in [0] : vector<16xf32>, vector<16xi32> -> vector<16xf32>
    %max3A_81 = arith.maximumf %max3A_74, %gather3A_80 : vector<16xf32>
    %xor3A_82 = arith.constant 8 : i32
    %xor3A_83 = vector.broadcast %xor3A_82 : i32 to vector<16xi32>
    %xor3A_84 = arith.xori %iota3A, %xor3A_83 : vector<16xi32>
    %broadcast_in_dim3A_85 = vector.shape_cast %xor3A_84 : vector<16xi32> to vector<16x1xi32>
    %gather3A_86 = vector.shape_cast %broadcast_in_dim3A_85 : vector<16x1xi32> to vector<16xi32>
    %gather3A_87 = tpu.dynamic_gather %max3A_81[%gather3A_86] in [0] : vector<16xf32>, vector<16xi32> -> vector<16xf32>
    %max3A_88 = arith.maximumf %max3A_81, %gather3A_87 : vector<16xf32>
    %eq3A_89 = arith.cmpf oeq, %select_n3A_60, %max3A_88 : vector<16xf32>
    %jit3A_90 = arith.constant 16 : i32
    %broadcast_in_dim3A_91 = vector.broadcast %jit3A_90 : i32 to vector<16xi32>
    %select_n3A_92 = arith.select %eq3A_89, %iota3A, %broadcast_in_dim3A_91 : vector<16xi1>, vector<16xi32>
    %xor3A_93 = arith.constant 1 : i32
    %xor3A_94 = vector.broadcast %xor3A_93 : i32 to vector<16xi32>
    %xor3A_95 = arith.xori %iota3A, %xor3A_94 : vector<16xi32>
    %broadcast_in_dim3A_96 = vector.shape_cast %xor3A_95 : vector<16xi32> to vector<16x1xi32>
    %gather3A_97 = vector.shape_cast %broadcast_in_dim3A_96 : vector<16x1xi32> to vector<16xi32>
    %gather3A_98 = tpu.dynamic_gather %select_n3A_92[%gather3A_97] in [0] : vector<16xi32>, vector<16xi32> -> vector<16xi32>
    %min3A_99 = arith.minsi %select_n3A_92, %gather3A_98 : vector<16xi32>
    %xor3A_100 = arith.constant 2 : i32
    %xor3A_101 = vector.broadcast %xor3A_100 : i32 to vector<16xi32>
    %xor3A_102 = arith.xori %iota3A, %xor3A_101 : vector<16xi32>
    %broadcast_in_dim3A_103 = vector.shape_cast %xor3A_102 : vector<16xi32> to vector<16x1xi32>
    %gather3A_104 = vector.shape_cast %broadcast_in_dim3A_103 : vector<16x1xi32> to vector<16xi32>
    %gather3A_105 = tpu.dynamic_gather %min3A_99[%gather3A_104] in [0] : vector<16xi32>, vector<16xi32> -> vector<16xi32>
    %min3A_106 = arith.minsi %min3A_99, %gather3A_105 : vector<16xi32>
    %xor3A_107 = arith.constant 4 : i32
    %xor3A_108 = vector.broadcast %xor3A_107 : i32 to vector<16xi32>
    %xor3A_109 = arith.xori %iota3A, %xor3A_108 : vector<16xi32>
    %broadcast_in_dim3A_110 = vector.shape_cast %xor3A_109 : vector<16xi32> to vector<16x1xi32>
    %gather3A_111 = vector.shape_cast %broadcast_in_dim3A_110 : vector<16x1xi32> to vector<16xi32>
    %gather3A_112 = tpu.dynamic_gather %min3A_106[%gather3A_111] in [0] : vector<16xi32>, vector<16xi32> -> vector<16xi32>
    %min3A_113 = arith.minsi %min3A_106, %gather3A_112 : vector<16xi32>
    %xor3A_114 = arith.constant 8 : i32
    %xor3A_115 = vector.broadcast %xor3A_114 : i32 to vector<16xi32>
    %xor3A_116 = arith.xori %iota3A, %xor3A_115 : vector<16xi32>
    %broadcast_in_dim3A_117 = vector.shape_cast %xor3A_116 : vector<16xi32> to vector<16x1xi32>
    %gather3A_118 = vector.shape_cast %broadcast_in_dim3A_117 : vector<16x1xi32> to vector<16xi32>
    %gather3A_119 = tpu.dynamic_gather %min3A_113[%gather3A_118] in [0] : vector<16xi32>, vector<16xi32> -> vector<16xi32>
    %min3A_120 = arith.minsi %min3A_113, %gather3A_119 : vector<16xi32>
    %sub3A = arith.subf %max3A_88, %max3A_28 : vector<16xf32>
    %exp3A = math.exp %sub3A : vector<16xf32>
    %add3A = arith.constant 1.000000e+00 : f32
    %add3A_121 = vector.broadcast %add3A : f32 to vector<16xf32>
    %add3A_122 = arith.addf %add3A_121, %exp3A : vector<16xf32>
    %div3A = arith.constant 1.000000e+00 : f32
    %div3A_123 = vector.broadcast %div3A : f32 to vector<16xf32>
    %div3A_124 = arith.divf %div3A_123, %add3A_122 : vector<16xf32>
    %eq3A_125 = arith.cmpi eq, %iota3A, %min3A_56 : vector<16xi32>
    %jit3A_126 = arith.constant 0.000000e+00 : f32
    %broadcast_in_dim3A_127 = vector.broadcast %jit3A_126 : f32 to vector<16xf32>
    %select_n3A_128 = arith.select %eq3A_125, %div3A_124, %broadcast_in_dim3A_127 : vector<16xi1>, vector<16xf32>
    %eq3A_129 = arith.cmpi eq, %iota3A, %min3A_120 : vector<16xi32>
    %sub3A_130 = arith.constant 1.000000e+00 : f32
    %sub3A_131 = vector.broadcast %sub3A_130 : f32 to vector<16xf32>
    %sub3A_132 = arith.subf %sub3A_131, %div3A_124 : vector<16xf32>
    %jit3A_133 = arith.constant 0.000000e+00 : f32
    %broadcast_in_dim3A_134 = vector.broadcast %jit3A_133 : f32 to vector<16xf32>
    %select_n3A_135 = arith.select %eq3A_129, %sub3A_132, %broadcast_in_dim3A_134 : vector<16xi1>, vector<16xf32>
    %add3A_136 = arith.addf %select_n3A_128, %select_n3A_135 : vector<16xf32>
    %swap3A = arith.constant 0 : i32
    %swap3A_137 = arith.index_cast %swap3A : i32 to index
    %swap3A_138 = arith.constant 0 : index
    %swap3A_139 = tpu.vector_load %arg5[%swap3A_137, %swap3A_138] {strides = array<i32>} : memref<4x16xf32, #tpu.memory_space<vmem>>, vector<1x16xf32>,
    %swap3A_140 = vector.shape_cast %swap3A_139 : vector<1x16xf32> to vector<16xf32>
    %swap3A_141 = vector.shape_cast %add3A_136 : vector<16xf32> to vector<1x16xf32>
    tpu.vector_store %arg5[%swap3A_137, %swap3A_138], %swap3A_141 {strides = array<i32>} : memref<4x16xf32, #tpu.memory_space<vmem>>, vector<1x16xf32>,
    %get3A_142 = arith.constant 1 : i32
    %get3A_143 = arith.index_cast %get3A_142 : i32 to index
    %get3A_144 = arith.constant 0 : index
    %get3A_145 = tpu.vector_load %arg4[%get3A_143, %get3A_144] {strides = array<i32>} : memref<4x16xf32, #tpu.memory_space<vmem>>, vector<1x16xf32>,
    %get3A_146 = vector.shape_cast %get3A_145 : vector<1x16xf32> to vector<16xf32>
    %xor3A_147 = arith.constant 1 : i32
    %xor3A_148 = vector.broadcast %xor3A_147 : i32 to vector<16xi32>
    %xor3A_149 = arith.xori %iota3A, %xor3A_148 : vector<16xi32>
    %broadcast_in_dim3A_150 = vector.shape_cast %xor3A_149 : vector<16xi32> to vector<16x1xi32>
    %gather3A_151 = vector.shape_cast %broadcast_in_dim3A_150 : vector<16x1xi32> to vector<16xi32>
    %gather3A_152 = tpu.dynamic_gather %get3A_146[%gather3A_151] in [0] : vector<16xf32>, vector<16xi32> -> vector<16xf32>
    %max3A_153 = arith.maximumf %get3A_146, %gather3A_152 : vector<16xf32>
    %xor3A_154 = arith.constant 2 : i32
    %xor3A_155 = vector.broadcast %xor3A_154 : i32 to vector<16xi32>
    %xor3A_156 = arith.xori %iota3A, %xor3A_155 : vector<16xi32>
    %broadcast_in_dim3A_157 = vector.shape_cast %xor3A_156 : vector<16xi32> to vector<16x1xi32>
    %gather3A_158 = vector.shape_cast %broadcast_in_dim3A_157 : vector<16x1xi32> to vector<16xi32>
    %gather3A_159 = tpu.dynamic_gather %max3A_153[%gather3A_158] in [0] : vector<16xf32>, vector<16xi32> -> vector<16xf32>
    %max3A_160 = arith.maximumf %max3A_153, %gather3A_159 : vector<16xf32>
    %xor3A_161 = arith.constant 4 : i32
    %xor3A_162 = vector.broadcast %xor3A_161 : i32 to vector<16xi32>
    %xor3A_163 = arith.xori %iota3A, %xor3A_162 : vector<16xi32>
    %broadcast_in_dim3A_164 = vector.shape_cast %xor3A_163 : vector<16xi32> to vector<16x1xi32>
    %gather3A_165 = vector.shape_cast %broadcast_in_dim3A_164 : vector<16x1xi32> to vector<16xi32>
    %gather3A_166 = tpu.dynamic_gather %max3A_160[%gather3A_165] in [0] : vector<16xf32>, vector<16xi32> -> vector<16xf32>
    %max3A_167 = arith.maximumf %max3A_160, %gather3A_166 : vector<16xf32>
    %xor3A_168 = arith.constant 8 : i32
    %xor3A_169 = vector.broadcast %xor3A_168 : i32 to vector<16xi32>
    %xor3A_170 = arith.xori %iota3A, %xor3A_169 : vector<16xi32>
    %broadcast_in_dim3A_171 = vector.shape_cast %xor3A_170 : vector<16xi32> to vector<16x1xi32>
    %gather3A_172 = vector.shape_cast %broadcast_in_dim3A_171 : vector<16x1xi32> to vector<16xi32>
    %gather3A_173 = tpu.dynamic_gather %max3A_167[%gather3A_172] in [0] : vector<16xf32>, vector<16xi32> -> vector<16xf32>
    %max3A_174 = arith.maximumf %max3A_167, %gather3A_173 : vector<16xf32>
    %eq3A_175 = arith.cmpf oeq, %get3A_146, %max3A_174 : vector<16xf32>
    %jit3A_176 = arith.constant 16 : i32
    %broadcast_in_dim3A_177 = vector.broadcast %jit3A_176 : i32 to vector<16xi32>
    %select_n3A_178 = arith.select %eq3A_175, %iota3A, %broadcast_in_dim3A_177 : vector<16xi1>, vector<16xi32>
    %xor3A_179 = arith.constant 1 : i32
    %xor3A_180 = vector.broadcast %xor3A_179 : i32 to vector<16xi32>
    %xor3A_181 = arith.xori %iota3A, %xor3A_180 : vector<16xi32>
    %broadcast_in_dim3A_182 = vector.shape_cast %xor3A_181 : vector<16xi32> to vector<16x1xi32>
    %gather3A_183 = vector.shape_cast %broadcast_in_dim3A_182 : vector<16x1xi32> to vector<16xi32>
    %gather3A_184 = tpu.dynamic_gather %select_n3A_178[%gather3A_183] in [0] : vector<16xi32>, vector<16xi32> -> vector<16xi32>
    %min3A_185 = arith.minsi %select_n3A_178, %gather3A_184 : vector<16xi32>
    %xor3A_186 = arith.constant 2 : i32
    %xor3A_187 = vector.broadcast %xor3A_186 : i32 to vector<16xi32>
    %xor3A_188 = arith.xori %iota3A, %xor3A_187 : vector<16xi32>
    %broadcast_in_dim3A_189 = vector.shape_cast %xor3A_188 : vector<16xi32> to vector<16x1xi32>
    %gather3A_190 = vector.shape_cast %broadcast_in_dim3A_189 : vector<16x1xi32> to vector<16xi32>
    %gather3A_191 = tpu.dynamic_gather %min3A_185[%gather3A_190] in [0] : vector<16xi32>, vector<16xi32> -> vector<16xi32>
    %min3A_192 = arith.minsi %min3A_185, %gather3A_191 : vector<16xi32>
    %xor3A_193 = arith.constant 4 : i32
    %xor3A_194 = vector.broadcast %xor3A_193 : i32 to vector<16xi32>
    %xor3A_195 = arith.xori %iota3A, %xor3A_194 : vector<16xi32>
    %broadcast_in_dim3A_196 = vector.shape_cast %xor3A_195 : vector<16xi32> to vector<16x1xi32>
    %gather3A_197 = vector.shape_cast %broadcast_in_dim3A_196 : vector<16x1xi32> to vector<16xi32>
    %gather3A_198 = tpu.dynamic_gather %min3A_192[%gather3A_197] in [0] : vector<16xi32>, vector<16xi32> -> vector<16xi32>
    %min3A_199 = arith.minsi %min3A_192, %gather3A_198 : vector<16xi32>
    %xor3A_200 = arith.constant 8 : i32
    %xor3A_201 = vector.broadcast %xor3A_200 : i32 to vector<16xi32>
    %xor3A_202 = arith.xori %iota3A, %xor3A_201 : vector<16xi32>
    %broadcast_in_dim3A_203 = vector.shape_cast %xor3A_202 : vector<16xi32> to vector<16x1xi32>
    %gather3A_204 = vector.shape_cast %broadcast_in_dim3A_203 : vector<16x1xi32> to vector<16xi32>
    %gather3A_205 = tpu.dynamic_gather %min3A_199[%gather3A_204] in [0] : vector<16xi32>, vector<16xi32> -> vector<16xi32>
    %min3A_206 = arith.minsi %min3A_199, %gather3A_205 : vector<16xi32>
    %eq3A_207 = arith.cmpi eq, %iota3A, %min3A_206 : vector<16xi32>
    %jit3A_208 = arith.constant 0xFF800000 : f32
    %broadcast_in_dim3A_209 = vector.broadcast %jit3A_208 : f32 to vector<16xf32>
    %select_n3A_210 = arith.select %eq3A_207, %broadcast_in_dim3A_209, %get3A_146 : vector<16xi1>, vector<16xf32>
    %xor3A_211 = arith.constant 1 : i32
    %xor3A_212 = vector.broadcast %xor3A_211 : i32 to vector<16xi32>
    %xor3A_213 = arith.xori %iota3A, %xor3A_212 : vector<16xi32>
    %broadcast_in_dim3A_214 = vector.shape_cast %xor3A_213 : vector<16xi32> to vector<16x1xi32>
    %gather3A_215 = vector.shape_cast %broadcast_in_dim3A_214 : vector<16x1xi32> to vector<16xi32>
    %gather3A_216 = tpu.dynamic_gather %select_n3A_210[%gather3A_215] in [0] : vector<16xf32>, vector<16xi32> -> vector<16xf32>
    %max3A_217 = arith.maximumf %select_n3A_210, %gather3A_216 : vector<16xf32>
    %xor3A_218 = arith.constant 2 : i32
    %xor3A_219 = vector.broadcast %xor3A_218 : i32 to vector<16xi32>
    %xor3A_220 = arith.xori %iota3A, %xor3A_219 : vector<16xi32>
    %broadcast_in_dim3A_221 = vector.shape_cast %xor3A_220 : vector<16xi32> to vector<16x1xi32>
    %gather3A_222 = vector.shape_cast %broadcast_in_dim3A_221 : vector<16x1xi32> to vector<16xi32>
    %gather3A_223 = tpu.dynamic_gather %max3A_217[%gather3A_222] in [0] : vector<16xf32>, vector<16xi32> -> vector<16xf32>
    %max3A_224 = arith.maximumf %max3A_217, %gather3A_223 : vector<16xf32>
    %xor3A_225 = arith.constant 4 : i32
    %xor3A_226 = vector.broadcast %xor3A_225 : i32 to vector<16xi32>
    %xor3A_227 = arith.xori %iota3A, %xor3A_226 : vector<16xi32>
    %broadcast_in_dim3A_228 = vector.shape_cast %xor3A_227 : vector<16xi32> to vector<16x1xi32>
    %gather3A_229 = vector.shape_cast %broadcast_in_dim3A_228 : vector<16x1xi32> to vector<16xi32>
    %gather3A_230 = tpu.dynamic_gather %max3A_224[%gather3A_229] in [0] : vector<16xf32>, vector<16xi32> -> vector<16xf32>
    %max3A_231 = arith.maximumf %max3A_224, %gather3A_230 : vector<16xf32>
    %xor3A_232 = arith.constant 8 : i32
    %xor3A_233 = vector.broadcast %xor3A_232 : i32 to vector<16xi32>
    %xor3A_234 = arith.xori %iota3A, %xor3A_233 : vector<16xi32>
    %broadcast_in_dim3A_235 = vector.shape_cast %xor3A_234 : vector<16xi32> to vector<16x1xi32>
    %gather3A_236 = vector.shape_cast %broadcast_in_dim3A_235 : vector<16x1xi32> to vector<16xi32>
    %gather3A_237 = tpu.dynamic_gather %max3A_231[%gather3A_236] in [0] : vector<16xf32>, vector<16xi32> -> vector<16xf32>
    %max3A_238 = arith.maximumf %max3A_231, %gather3A_237 : vector<16xf32>
    %eq3A_239 = arith.cmpf oeq, %select_n3A_210, %max3A_238 : vector<16xf32>
    %jit3A_240 = arith.constant 16 : i32
    %broadcast_in_dim3A_241 = vector.broadcast %jit3A_240 : i32 to vector<16xi32>
    %select_n3A_242 = arith.select %eq3A_239, %iota3A, %broadcast_in_dim3A_241 : vector<16xi1>, vector<16xi32>
    %xor3A_243 = arith.constant 1 : i32
    %xor3A_244 = vector.broadcast %xor3A_243 : i32 to vector<16xi32>
    %xor3A_245 = arith.xori %iota3A, %xor3A_244 : vector<16xi32>
    %broadcast_in_dim3A_246 = vector.shape_cast %xor3A_245 : vector<16xi32> to vector<16x1xi32>
    %gather3A_247 = vector.shape_cast %broadcast_in_dim3A_246 : vector<16x1xi32> to vector<16xi32>
    %gather3A_248 = tpu.dynamic_gather %select_n3A_242[%gather3A_247] in [0] : vector<16xi32>, vector<16xi32> -> vector<16xi32>
    %min3A_249 = arith.minsi %select_n3A_242, %gather3A_248 : vector<16xi32>
    %xor3A_250 = arith.constant 2 : i32
    %xor3A_251 = vector.broadcast %xor3A_250 : i32 to vector<16xi32>
    %xor3A_252 = arith.xori %iota3A, %xor3A_251 : vector<16xi32>
    %broadcast_in_dim3A_253 = vector.shape_cast %xor3A_252 : vector<16xi32> to vector<16x1xi32>
    %gather3A_254 = vector.shape_cast %broadcast_in_dim3A_253 : vector<16x1xi32> to vector<16xi32>
    %gather3A_255 = tpu.dynamic_gather %min3A_249[%gather3A_254] in [0] : vector<16xi32>, vector<16xi32> -> vector<16xi32>
    %min3A_256 = arith.minsi %min3A_249, %gather3A_255 : vector<16xi32>
    %xor3A_257 = arith.constant 4 : i32
    %xor3A_258 = vector.broadcast %xor3A_257 : i32 to vector<16xi32>
    %xor3A_259 = arith.xori %iota3A, %xor3A_258 : vector<16xi32>
    %broadcast_in_dim3A_260 = vector.shape_cast %xor3A_259 : vector<16xi32> to vector<16x1xi32>
    %gather3A_261 = vector.shape_cast %broadcast_in_dim3A_260 : vector<16x1xi32> to vector<16xi32>
    %gather3A_262 = tpu.dynamic_gather %min3A_256[%gather3A_261] in [0] : vector<16xi32>, vector<16xi32> -> vector<16xi32>
    %min3A_263 = arith.minsi %min3A_256, %gather3A_262 : vector<16xi32>
    %xor3A_264 = arith.constant 8 : i32
    %xor3A_265 = vector.broadcast %xor3A_264 : i32 to vector<16xi32>
    %xor3A_266 = arith.xori %iota3A, %xor3A_265 : vector<16xi32>
    %broadcast_in_dim3A_267 = vector.shape_cast %xor3A_266 : vector<16xi32> to vector<16x1xi32>
    %gather3A_268 = vector.shape_cast %broadcast_in_dim3A_267 : vector<16x1xi32> to vector<16xi32>
    %gather3A_269 = tpu.dynamic_gather %min3A_263[%gather3A_268] in [0] : vector<16xi32>, vector<16xi32> -> vector<16xi32>
    %min3A_270 = arith.minsi %min3A_263, %gather3A_269 : vector<16xi32>
    %sub3A_271 = arith.subf %max3A_238, %max3A_174 : vector<16xf32>
    %exp3A_272 = math.exp %sub3A_271 : vector<16xf32>
    %add3A_273 = arith.constant 1.000000e+00 : f32
    %add3A_274 = vector.broadcast %add3A_273 : f32 to vector<16xf32>
    %add3A_275 = arith.addf %add3A_274, %exp3A_272 : vector<16xf32>
    %div3A_276 = arith.constant 1.000000e+00 : f32
    %div3A_277 = vector.broadcast %div3A_276 : f32 to vector<16xf32>
    %div3A_278 = arith.divf %div3A_277, %add3A_275 : vector<16xf32>
    %eq3A_279 = arith.cmpi eq, %iota3A, %min3A_206 : vector<16xi32>
    %jit3A_280 = arith.constant 0.000000e+00 : f32
    %broadcast_in_dim3A_281 = vector.broadcast %jit3A_280 : f32 to vector<16xf32>
    %select_n3A_282 = arith.select %eq3A_279, %div3A_278, %broadcast_in_dim3A_281 : vector<16xi1>, vector<16xf32>
    %eq3A_283 = arith.cmpi eq, %iota3A, %min3A_270 : vector<16xi32>
    %sub3A_284 = arith.constant 1.000000e+00 : f32
    %sub3A_285 = vector.broadcast %sub3A_284 : f32 to vector<16xf32>
    %sub3A_286 = arith.subf %sub3A_285, %div3A_278 : vector<16xf32>
    %jit3A_287 = arith.constant 0.000000e+00 : f32
    %broadcast_in_dim3A_288 = vector.broadcast %jit3A_287 : f32 to vector<16xf32>
    %select_n3A_289 = arith.select %eq3A_283, %sub3A_286, %broadcast_in_dim3A_288 : vector<16xi1>, vector<16xf32>
    %add3A_290 = arith.addf %select_n3A_282, %select_n3A_289 : vector<16xf32>
    %swap3A_291 = arith.constant 1 : i32
    %swap3A_292 = arith.index_cast %swap3A_291 : i32 to index
    %swap3A_293 = arith.constant 0 : index
    %swap3A_294 = tpu.vector_load %arg5[%swap3A_292, %swap3A_293] {strides = array<i32>} : memref<4x16xf32, #tpu.memory_space<vmem>>, vector<1x16xf32>,
    %swap3A_295 = vector.shape_cast %swap3A_294 : vector<1x16xf32> to vector<16xf32>
    %swap3A_296 = vector.shape_cast %add3A_290 : vector<16xf32> to vector<1x16xf32>
    tpu.vector_store %arg5[%swap3A_292, %swap3A_293], %swap3A_296 {strides = array<i32>} : memref<4x16xf32, #tpu.memory_space<vmem>>, vector<1x16xf32>,
    %get3A_297 = arith.constant 2 : i32
    %get3A_298 = arith.index_cast %get3A_297 : i32 to index
    %get3A_299 = arith.constant 0 : index
    %get3A_300 = tpu.vector_load %arg4[%get3A_298, %get3A_299] {strides = array<i32>} : memref<4x16xf32, #tpu.memory_space<vmem>>, vector<1x16xf32>,
    %get3A_301 = vector.shape_cast %get3A_300 : vector<1x16xf32> to vector<16xf32>
    %xor3A_302 = arith.constant 1 : i32
    %xor3A_303 = vector.broadcast %xor3A_302 : i32 to vector<16xi32>
    %xor3A_304 = arith.xori %iota3A, %xor3A_303 : vector<16xi32>
    %broadcast_in_dim3A_305 = vector.shape_cast %xor3A_304 : vector<16xi32> to vector<16x1xi32>
    %gather3A_306 = vector.shape_cast %broadcast_in_dim3A_305 : vector<16x1xi32> to vector<16xi32>
    %gather3A_307 = tpu.dynamic_gather %get3A_301[%gather3A_306] in [0] : vector<16xf32>, vector<16xi32> -> vector<16xf32>
    %max3A_308 = arith.maximumf %get3A_301, %gather3A_307 : vector<16xf32>
    %xor3A_309 = arith.constant 2 : i32
    %xor3A_310 = vector.broadcast %xor3A_309 : i32 to vector<16xi32>
    %xor3A_311 = arith.xori %iota3A, %xor3A_310 : vector<16xi32>
    %broadcast_in_dim3A_312 = vector.shape_cast %xor3A_311 : vector<16xi32> to vector<16x1xi32>
    %gather3A_313 = vector.shape_cast %broadcast_in_dim3A_312 : vector<16x1xi32> to vector<16xi32>
    %gather3A_314 = tpu.dynamic_gather %max3A_308[%gather3A_313] in [0] : vector<16xf32>, vector<16xi32> -> vector<16xf32>
    %max3A_315 = arith.maximumf %max3A_308, %gather3A_314 : vector<16xf32>
    %xor3A_316 = arith.constant 4 : i32
    %xor3A_317 = vector.broadcast %xor3A_316 : i32 to vector<16xi32>
    %xor3A_318 = arith.xori %iota3A, %xor3A_317 : vector<16xi32>
    %broadcast_in_dim3A_319 = vector.shape_cast %xor3A_318 : vector<16xi32> to vector<16x1xi32>
    %gather3A_320 = vector.shape_cast %broadcast_in_dim3A_319 : vector<16x1xi32> to vector<16xi32>
    %gather3A_321 = tpu.dynamic_gather %max3A_315[%gather3A_320] in [0] : vector<16xf32>, vector<16xi32> -> vector<16xf32>
    %max3A_322 = arith.maximumf %max3A_315, %gather3A_321 : vector<16xf32>
    %xor3A_323 = arith.constant 8 : i32
    %xor3A_324 = vector.broadcast %xor3A_323 : i32 to vector<16xi32>
    %xor3A_325 = arith.xori %iota3A, %xor3A_324 : vector<16xi32>
    %broadcast_in_dim3A_326 = vector.shape_cast %xor3A_325 : vector<16xi32> to vector<16x1xi32>
    %gather3A_327 = vector.shape_cast %broadcast_in_dim3A_326 : vector<16x1xi32> to vector<16xi32>
    %gather3A_328 = tpu.dynamic_gather %max3A_322[%gather3A_327] in [0] : vector<16xf32>, vector<16xi32> -> vector<16xf32>
    %max3A_329 = arith.maximumf %max3A_322, %gather3A_328 : vector<16xf32>
    %eq3A_330 = arith.cmpf oeq, %get3A_301, %max3A_329 : vector<16xf32>
    %jit3A_331 = arith.constant 16 : i32
    %broadcast_in_dim3A_332 = vector.broadcast %jit3A_331 : i32 to vector<16xi32>
    %select_n3A_333 = arith.select %eq3A_330, %iota3A, %broadcast_in_dim3A_332 : vector<16xi1>, vector<16xi32>
    %xor3A_334 = arith.constant 1 : i32
    %xor3A_335 = vector.broadcast %xor3A_334 : i32 to vector<16xi32>
    %xor3A_336 = arith.xori %iota3A, %xor3A_335 : vector<16xi32>
    %broadcast_in_dim3A_337 = vector.shape_cast %xor3A_336 : vector<16xi32> to vector<16x1xi32>
    %gather3A_338 = vector.shape_cast %broadcast_in_dim3A_337 : vector<16x1xi32> to vector<16xi32>
    %gather3A_339 = tpu.dynamic_gather %select_n3A_333[%gather3A_338] in [0] : vector<16xi32>, vector<16xi32> -> vector<16xi32>
    %min3A_340 = arith.minsi %select_n3A_333, %gather3A_339 : vector<16xi32>
    %xor3A_341 = arith.constant 2 : i32
    %xor3A_342 = vector.broadcast %xor3A_341 : i32 to vector<16xi32>
    %xor3A_343 = arith.xori %iota3A, %xor3A_342 : vector<16xi32>
    %broadcast_in_dim3A_344 = vector.shape_cast %xor3A_343 : vector<16xi32> to vector<16x1xi32>
    %gather3A_345 = vector.shape_cast %broadcast_in_dim3A_344 : vector<16x1xi32> to vector<16xi32>
    %gather3A_346 = tpu.dynamic_gather %min3A_340[%gather3A_345] in [0] : vector<16xi32>, vector<16xi32> -> vector<16xi32>
    %min3A_347 = arith.minsi %min3A_340, %gather3A_346 : vector<16xi32>
    %xor3A_348 = arith.constant 4 : i32
    %xor3A_349 = vector.broadcast %xor3A_348 : i32 to vector<16xi32>
    %xor3A_350 = arith.xori %iota3A, %xor3A_349 : vector<16xi32>
    %broadcast_in_dim3A_351 = vector.shape_cast %xor3A_350 : vector<16xi32> to vector<16x1xi32>
    %gather3A_352 = vector.shape_cast %broadcast_in_dim3A_351 : vector<16x1xi32> to vector<16xi32>
    %gather3A_353 = tpu.dynamic_gather %min3A_347[%gather3A_352] in [0] : vector<16xi32>, vector<16xi32> -> vector<16xi32>
    %min3A_354 = arith.minsi %min3A_347, %gather3A_353 : vector<16xi32>
    %xor3A_355 = arith.constant 8 : i32
    %xor3A_356 = vector.broadcast %xor3A_355 : i32 to vector<16xi32>
    %xor3A_357 = arith.xori %iota3A, %xor3A_356 : vector<16xi32>
    %broadcast_in_dim3A_358 = vector.shape_cast %xor3A_357 : vector<16xi32> to vector<16x1xi32>
    %gather3A_359 = vector.shape_cast %broadcast_in_dim3A_358 : vector<16x1xi32> to vector<16xi32>
    %gather3A_360 = tpu.dynamic_gather %min3A_354[%gather3A_359] in [0] : vector<16xi32>, vector<16xi32> -> vector<16xi32>
    %min3A_361 = arith.minsi %min3A_354, %gather3A_360 : vector<16xi32>
    %eq3A_362 = arith.cmpi eq, %iota3A, %min3A_361 : vector<16xi32>
    %jit3A_363 = arith.constant 0xFF800000 : f32
    %broadcast_in_dim3A_364 = vector.broadcast %jit3A_363 : f32 to vector<16xf32>
    %select_n3A_365 = arith.select %eq3A_362, %broadcast_in_dim3A_364, %get3A_301 : vector<16xi1>, vector<16xf32>
    %xor3A_366 = arith.constant 1 : i32
    %xor3A_367 = vector.broadcast %xor3A_366 : i32 to vector<16xi32>
    %xor3A_368 = arith.xori %iota3A, %xor3A_367 : vector<16xi32>
    %broadcast_in_dim3A_369 = vector.shape_cast %xor3A_368 : vector<16xi32> to vector<16x1xi32>
    %gather3A_370 = vector.shape_cast %broadcast_in_dim3A_369 : vector<16x1xi32> to vector<16xi32>
    %gather3A_371 = tpu.dynamic_gather %select_n3A_365[%gather3A_370] in [0] : vector<16xf32>, vector<16xi32> -> vector<16xf32>
    %max3A_372 = arith.maximumf %select_n3A_365, %gather3A_371 : vector<16xf32>
    %xor3A_373 = arith.constant 2 : i32
    %xor3A_374 = vector.broadcast %xor3A_373 : i32 to vector<16xi32>
    %xor3A_375 = arith.xori %iota3A, %xor3A_374 : vector<16xi32>
    %broadcast_in_dim3A_376 = vector.shape_cast %xor3A_375 : vector<16xi32> to vector<16x1xi32>
    %gather3A_377 = vector.shape_cast %broadcast_in_dim3A_376 : vector<16x1xi32> to vector<16xi32>
    %gather3A_378 = tpu.dynamic_gather %max3A_372[%gather3A_377] in [0] : vector<16xf32>, vector<16xi32> -> vector<16xf32>
    %max3A_379 = arith.maximumf %max3A_372, %gather3A_378 : vector<16xf32>
    %xor3A_380 = arith.constant 4 : i32
    %xor3A_381 = vector.broadcast %xor3A_380 : i32 to vector<16xi32>
    %xor3A_382 = arith.xori %iota3A, %xor3A_381 : vector<16xi32>
    %broadcast_in_dim3A_383 = vector.shape_cast %xor3A_382 : vector<16xi32> to vector<16x1xi32>
    %gather3A_384 = vector.shape_cast %broadcast_in_dim3A_383 : vector<16x1xi32> to vector<16xi32>
    %gather3A_385 = tpu.dynamic_gather %max3A_379[%gather3A_384] in [0] : vector<16xf32>, vector<16xi32> -> vector<16xf32>
    %max3A_386 = arith.maximumf %max3A_379, %gather3A_385 : vector<16xf32>
    %xor3A_387 = arith.constant 8 : i32
    %xor3A_388 = vector.broadcast %xor3A_387 : i32 to vector<16xi32>
    %xor3A_389 = arith.xori %iota3A, %xor3A_388 : vector<16xi32>
    %broadcast_in_dim3A_390 = vector.shape_cast %xor3A_389 : vector<16xi32> to vector<16x1xi32>
    %gather3A_391 = vector.shape_cast %broadcast_in_dim3A_390 : vector<16x1xi32> to vector<16xi32>
    %gather3A_392 = tpu.dynamic_gather %max3A_386[%gather3A_391] in [0] : vector<16xf32>, vector<16xi32> -> vector<16xf32>
    %max3A_393 = arith.maximumf %max3A_386, %gather3A_392 : vector<16xf32>
    %eq3A_394 = arith.cmpf oeq, %select_n3A_365, %max3A_393 : vector<16xf32>
    %jit3A_395 = arith.constant 16 : i32
    %broadcast_in_dim3A_396 = vector.broadcast %jit3A_395 : i32 to vector<16xi32>
    %select_n3A_397 = arith.select %eq3A_394, %iota3A, %broadcast_in_dim3A_396 : vector<16xi1>, vector<16xi32>
    %xor3A_398 = arith.constant 1 : i32
    %xor3A_399 = vector.broadcast %xor3A_398 : i32 to vector<16xi32>
    %xor3A_400 = arith.xori %iota3A, %xor3A_399 : vector<16xi32>
    %broadcast_in_dim3A_401 = vector.shape_cast %xor3A_400 : vector<16xi32> to vector<16x1xi32>
    %gather3A_402 = vector.shape_cast %broadcast_in_dim3A_401 : vector<16x1xi32> to vector<16xi32>
    %gather3A_403 = tpu.dynamic_gather %select_n3A_397[%gather3A_402] in [0] : vector<16xi32>, vector<16xi32> -> vector<16xi32>
    %min3A_404 = arith.minsi %select_n3A_397, %gather3A_403 : vector<16xi32>
    %xor3A_405 = arith.constant 2 : i32
    %xor3A_406 = vector.broadcast %xor3A_405 : i32 to vector<16xi32>
    %xor3A_407 = arith.xori %iota3A, %xor3A_406 : vector<16xi32>
    %broadcast_in_dim3A_408 = vector.shape_cast %xor3A_407 : vector<16xi32> to vector<16x1xi32>
    %gather3A_409 = vector.shape_cast %broadcast_in_dim3A_408 : vector<16x1xi32> to vector<16xi32>
    %gather3A_410 = tpu.dynamic_gather %min3A_404[%gather3A_409] in [0] : vector<16xi32>, vector<16xi32> -> vector<16xi32>
    %min3A_411 = arith.minsi %min3A_404, %gather3A_410 : vector<16xi32>
    %xor3A_412 = arith.constant 4 : i32
    %xor3A_413 = vector.broadcast %xor3A_412 : i32 to vector<16xi32>
    %xor3A_414 = arith.xori %iota3A, %xor3A_413 : vector<16xi32>
    %broadcast_in_dim3A_415 = vector.shape_cast %xor3A_414 : vector<16xi32> to vector<16x1xi32>
    %gather3A_416 = vector.shape_cast %broadcast_in_dim3A_415 : vector<16x1xi32> to vector<16xi32>
    %gather3A_417 = tpu.dynamic_gather %min3A_411[%gather3A_416] in [0] : vector<16xi32>, vector<16xi32> -> vector<16xi32>
    %min3A_418 = arith.minsi %min3A_411, %gather3A_417 : vector<16xi32>
    %xor3A_419 = arith.constant 8 : i32
    %xor3A_420 = vector.broadcast %xor3A_419 : i32 to vector<16xi32>
    %xor3A_421 = arith.xori %iota3A, %xor3A_420 : vector<16xi32>
    %broadcast_in_dim3A_422 = vector.shape_cast %xor3A_421 : vector<16xi32> to vector<16x1xi32>
    %gather3A_423 = vector.shape_cast %broadcast_in_dim3A_422 : vector<16x1xi32> to vector<16xi32>
    %gather3A_424 = tpu.dynamic_gather %min3A_418[%gather3A_423] in [0] : vector<16xi32>, vector<16xi32> -> vector<16xi32>
    %min3A_425 = arith.minsi %min3A_418, %gather3A_424 : vector<16xi32>
    %sub3A_426 = arith.subf %max3A_393, %max3A_329 : vector<16xf32>
    %exp3A_427 = math.exp %sub3A_426 : vector<16xf32>
    %add3A_428 = arith.constant 1.000000e+00 : f32
    %add3A_429 = vector.broadcast %add3A_428 : f32 to vector<16xf32>
    %add3A_430 = arith.addf %add3A_429, %exp3A_427 : vector<16xf32>
    %div3A_431 = arith.constant 1.000000e+00 : f32
    %div3A_432 = vector.broadcast %div3A_431 : f32 to vector<16xf32>
    %div3A_433 = arith.divf %div3A_432, %add3A_430 : vector<16xf32>
    %eq3A_434 = arith.cmpi eq, %iota3A, %min3A_361 : vector<16xi32>
    %jit3A_435 = arith.constant 0.000000e+00 : f32
    %broadcast_in_dim3A_436 = vector.broadcast %jit3A_435 : f32 to vector<16xf32>
    %select_n3A_437 = arith.select %eq3A_434, %div3A_433, %broadcast_in_dim3A_436 : vector<16xi1>, vector<16xf32>
    %eq3A_438 = arith.cmpi eq, %iota3A, %min3A_425 : vector<16xi32>
    %sub3A_439 = arith.constant 1.000000e+00 : f32
    %sub3A_440 = vector.broadcast %sub3A_439 : f32 to vector<16xf32>
    %sub3A_441 = arith.subf %sub3A_440, %div3A_433 : vector<16xf32>
    %jit3A_442 = arith.constant 0.000000e+00 : f32
    %broadcast_in_dim3A_443 = vector.broadcast %jit3A_442 : f32 to vector<16xf32>
    %select_n3A_444 = arith.select %eq3A_438, %sub3A_441, %broadcast_in_dim3A_443 : vector<16xi1>, vector<16xf32>
    %add3A_445 = arith.addf %select_n3A_437, %select_n3A_444 : vector<16xf32>
    %swap3A_446 = arith.constant 2 : i32
    %swap3A_447 = arith.index_cast %swap3A_446 : i32 to index
    %swap3A_448 = arith.constant 0 : index
    %swap3A_449 = tpu.vector_load %arg5[%swap3A_447, %swap3A_448] {strides = array<i32>} : memref<4x16xf32, #tpu.memory_space<vmem>>, vector<1x16xf32>,
    %swap3A_450 = vector.shape_cast %swap3A_449 : vector<1x16xf32> to vector<16xf32>
    %swap3A_451 = vector.shape_cast %add3A_445 : vector<16xf32> to vector<1x16xf32>
    tpu.vector_store %arg5[%swap3A_447, %swap3A_448], %swap3A_451 {strides = array<i32>} : memref<4x16xf32, #tpu.memory_space<vmem>>, vector<1x16xf32>,
    %get3A_452 = arith.constant 3 : i32
    %get3A_453 = arith.index_cast %get3A_452 : i32 to index
    %get3A_454 = arith.constant 0 : index
    %get3A_455 = tpu.vector_load %arg4[%get3A_453, %get3A_454] {strides = array<i32>} : memref<4x16xf32, #tpu.memory_space<vmem>>, vector<1x16xf32>,
    %get3A_456 = vector.shape_cast %get3A_455 : vector<1x16xf32> to vector<16xf32>
    %xor3A_457 = arith.constant 1 : i32
    %xor3A_458 = vector.broadcast %xor3A_457 : i32 to vector<16xi32>
    %xor3A_459 = arith.xori %iota3A, %xor3A_458 : vector<16xi32>
    %broadcast_in_dim3A_460 = vector.shape_cast %xor3A_459 : vector<16xi32> to vector<16x1xi32>
    %gather3A_461 = vector.shape_cast %broadcast_in_dim3A_460 : vector<16x1xi32> to vector<16xi32>
    %gather3A_462 = tpu.dynamic_gather %get3A_456[%gather3A_461] in [0] : vector<16xf32>, vector<16xi32> -> vector<16xf32>
    %max3A_463 = arith.maximumf %get3A_456, %gather3A_462 : vector<16xf32>
    %xor3A_464 = arith.constant 2 : i32
    %xor3A_465 = vector.broadcast %xor3A_464 : i32 to vector<16xi32>
    %xor3A_466 = arith.xori %iota3A, %xor3A_465 : vector<16xi32>
    %broadcast_in_dim3A_467 = vector.shape_cast %xor3A_466 : vector<16xi32> to vector<16x1xi32>
    %gather3A_468 = vector.shape_cast %broadcast_in_dim3A_467 : vector<16x1xi32> to vector<16xi32>
    %gather3A_469 = tpu.dynamic_gather %max3A_463[%gather3A_468] in [0] : vector<16xf32>, vector<16xi32> -> vector<16xf32>
    %max3A_470 = arith.maximumf %max3A_463, %gather3A_469 : vector<16xf32>
    %xor3A_471 = arith.constant 4 : i32
    %xor3A_472 = vector.broadcast %xor3A_471 : i32 to vector<16xi32>
    %xor3A_473 = arith.xori %iota3A, %xor3A_472 : vector<16xi32>
    %broadcast_in_dim3A_474 = vector.shape_cast %xor3A_473 : vector<16xi32> to vector<16x1xi32>
    %gather3A_475 = vector.shape_cast %broadcast_in_dim3A_474 : vector<16x1xi32> to vector<16xi32>
    %gather3A_476 = tpu.dynamic_gather %max3A_470[%gather3A_475] in [0] : vector<16xf32>, vector<16xi32> -> vector<16xf32>
    %max3A_477 = arith.maximumf %max3A_470, %gather3A_476 : vector<16xf32>
    %xor3A_478 = arith.constant 8 : i32
    %xor3A_479 = vector.broadcast %xor3A_478 : i32 to vector<16xi32>
    %xor3A_480 = arith.xori %iota3A, %xor3A_479 : vector<16xi32>
    %broadcast_in_dim3A_481 = vector.shape_cast %xor3A_480 : vector<16xi32> to vector<16x1xi32>
    %gather3A_482 = vector.shape_cast %broadcast_in_dim3A_481 : vector<16x1xi32> to vector<16xi32>
    %gather3A_483 = tpu.dynamic_gather %max3A_477[%gather3A_482] in [0] : vector<16xf32>, vector<16xi32> -> vector<16xf32>
    %max3A_484 = arith.maximumf %max3A_477, %gather3A_483 : vector<16xf32>
    %eq3A_485 = arith.cmpf oeq, %get3A_456, %max3A_484 : vector<16xf32>
    %jit3A_486 = arith.constant 16 : i32
    %broadcast_in_dim3A_487 = vector.broadcast %jit3A_486 : i32 to vector<16xi32>
    %select_n3A_488 = arith.select %eq3A_485, %iota3A, %broadcast_in_dim3A_487 : vector<16xi1>, vector<16xi32>
    %xor3A_489 = arith.constant 1 : i32
    %xor3A_490 = vector.broadcast %xor3A_489 : i32 to vector<16xi32>
    %xor3A_491 = arith.xori %iota3A, %xor3A_490 : vector<16xi32>
    %broadcast_in_dim3A_492 = vector.shape_cast %xor3A_491 : vector<16xi32> to vector<16x1xi32>
    %gather3A_493 = vector.shape_cast %broadcast_in_dim3A_492 : vector<16x1xi32> to vector<16xi32>
    %gather3A_494 = tpu.dynamic_gather %select_n3A_488[%gather3A_493] in [0] : vector<16xi32>, vector<16xi32> -> vector<16xi32>
    %min3A_495 = arith.minsi %select_n3A_488, %gather3A_494 : vector<16xi32>
    %xor3A_496 = arith.constant 2 : i32
    %xor3A_497 = vector.broadcast %xor3A_496 : i32 to vector<16xi32>
    %xor3A_498 = arith.xori %iota3A, %xor3A_497 : vector<16xi32>
    %broadcast_in_dim3A_499 = vector.shape_cast %xor3A_498 : vector<16xi32> to vector<16x1xi32>
    %gather3A_500 = vector.shape_cast %broadcast_in_dim3A_499 : vector<16x1xi32> to vector<16xi32>
    %gather3A_501 = tpu.dynamic_gather %min3A_495[%gather3A_500] in [0] : vector<16xi32>, vector<16xi32> -> vector<16xi32>
    %min3A_502 = arith.minsi %min3A_495, %gather3A_501 : vector<16xi32>
    %xor3A_503 = arith.constant 4 : i32
    %xor3A_504 = vector.broadcast %xor3A_503 : i32 to vector<16xi32>
    %xor3A_505 = arith.xori %iota3A, %xor3A_504 : vector<16xi32>
    %broadcast_in_dim3A_506 = vector.shape_cast %xor3A_505 : vector<16xi32> to vector<16x1xi32>
    %gather3A_507 = vector.shape_cast %broadcast_in_dim3A_506 : vector<16x1xi32> to vector<16xi32>
    %gather3A_508 = tpu.dynamic_gather %min3A_502[%gather3A_507] in [0] : vector<16xi32>, vector<16xi32> -> vector<16xi32>
    %min3A_509 = arith.minsi %min3A_502, %gather3A_508 : vector<16xi32>
    %xor3A_510 = arith.constant 8 : i32
    %xor3A_511 = vector.broadcast %xor3A_510 : i32 to vector<16xi32>
    %xor3A_512 = arith.xori %iota3A, %xor3A_511 : vector<16xi32>
    %broadcast_in_dim3A_513 = vector.shape_cast %xor3A_512 : vector<16xi32> to vector<16x1xi32>
    %gather3A_514 = vector.shape_cast %broadcast_in_dim3A_513 : vector<16x1xi32> to vector<16xi32>
    %gather3A_515 = tpu.dynamic_gather %min3A_509[%gather3A_514] in [0] : vector<16xi32>, vector<16xi32> -> vector<16xi32>
    %min3A_516 = arith.minsi %min3A_509, %gather3A_515 : vector<16xi32>
    %eq3A_517 = arith.cmpi eq, %iota3A, %min3A_516 : vector<16xi32>
    %jit3A_518 = arith.constant 0xFF800000 : f32
    %broadcast_in_dim3A_519 = vector.broadcast %jit3A_518 : f32 to vector<16xf32>
    %select_n3A_520 = arith.select %eq3A_517, %broadcast_in_dim3A_519, %get3A_456 : vector<16xi1>, vector<16xf32>
    %xor3A_521 = arith.constant 1 : i32
    %xor3A_522 = vector.broadcast %xor3A_521 : i32 to vector<16xi32>
    %xor3A_523 = arith.xori %iota3A, %xor3A_522 : vector<16xi32>
    %broadcast_in_dim3A_524 = vector.shape_cast %xor3A_523 : vector<16xi32> to vector<16x1xi32>
    %gather3A_525 = vector.shape_cast %broadcast_in_dim3A_524 : vector<16x1xi32> to vector<16xi32>
    %gather3A_526 = tpu.dynamic_gather %select_n3A_520[%gather3A_525] in [0] : vector<16xf32>, vector<16xi32> -> vector<16xf32>
    %max3A_527 = arith.maximumf %select_n3A_520, %gather3A_526 : vector<16xf32>
    %xor3A_528 = arith.constant 2 : i32
    %xor3A_529 = vector.broadcast %xor3A_528 : i32 to vector<16xi32>
    %xor3A_530 = arith.xori %iota3A, %xor3A_529 : vector<16xi32>
    %broadcast_in_dim3A_531 = vector.shape_cast %xor3A_530 : vector<16xi32> to vector<16x1xi32>
    %gather3A_532 = vector.shape_cast %broadcast_in_dim3A_531 : vector<16x1xi32> to vector<16xi32>
    %gather3A_533 = tpu.dynamic_gather %max3A_527[%gather3A_532] in [0] : vector<16xf32>, vector<16xi32> -> vector<16xf32>
    %max3A_534 = arith.maximumf %max3A_527, %gather3A_533 : vector<16xf32>
    %xor3A_535 = arith.constant 4 : i32
    %xor3A_536 = vector.broadcast %xor3A_535 : i32 to vector<16xi32>
    %xor3A_537 = arith.xori %iota3A, %xor3A_536 : vector<16xi32>
    %broadcast_in_dim3A_538 = vector.shape_cast %xor3A_537 : vector<16xi32> to vector<16x1xi32>
    %gather3A_539 = vector.shape_cast %broadcast_in_dim3A_538 : vector<16x1xi32> to vector<16xi32>
    %gather3A_540 = tpu.dynamic_gather %max3A_534[%gather3A_539] in [0] : vector<16xf32>, vector<16xi32> -> vector<16xf32>
    %max3A_541 = arith.maximumf %max3A_534, %gather3A_540 : vector<16xf32>
    %xor3A_542 = arith.constant 8 : i32
    %xor3A_543 = vector.broadcast %xor3A_542 : i32 to vector<16xi32>
    %xor3A_544 = arith.xori %iota3A, %xor3A_543 : vector<16xi32>
    %broadcast_in_dim3A_545 = vector.shape_cast %xor3A_544 : vector<16xi32> to vector<16x1xi32>
    %gather3A_546 = vector.shape_cast %broadcast_in_dim3A_545 : vector<16x1xi32> to vector<16xi32>
    %gather3A_547 = tpu.dynamic_gather %max3A_541[%gather3A_546] in [0] : vector<16xf32>, vector<16xi32> -> vector<16xf32>
    %max3A_548 = arith.maximumf %max3A_541, %gather3A_547 : vector<16xf32>
    %eq3A_549 = arith.cmpf oeq, %select_n3A_520, %max3A_548 : vector<16xf32>
    %jit3A_550 = arith.constant 16 : i32
    %broadcast_in_dim3A_551 = vector.broadcast %jit3A_550 : i32 to vector<16xi32>
    %select_n3A_552 = arith.select %eq3A_549, %iota3A, %broadcast_in_dim3A_551 : vector<16xi1>, vector<16xi32>
    %xor3A_553 = arith.constant 1 : i32
    %xor3A_554 = vector.broadcast %xor3A_553 : i32 to vector<16xi32>
    %xor3A_555 = arith.xori %iota3A, %xor3A_554 : vector<16xi32>
    %broadcast_in_dim3A_556 = vector.shape_cast %xor3A_555 : vector<16xi32> to vector<16x1xi32>
    %gather3A_557 = vector.shape_cast %broadcast_in_dim3A_556 : vector<16x1xi32> to vector<16xi32>
    %gather3A_558 = tpu.dynamic_gather %select_n3A_552[%gather3A_557] in [0] : vector<16xi32>, vector<16xi32> -> vector<16xi32>
    %min3A_559 = arith.minsi %select_n3A_552, %gather3A_558 : vector<16xi32>
    %xor3A_560 = arith.constant 2 : i32
    %xor3A_561 = vector.broadcast %xor3A_560 : i32 to vector<16xi32>
    %xor3A_562 = arith.xori %iota3A, %xor3A_561 : vector<16xi32>
    %broadcast_in_dim3A_563 = vector.shape_cast %xor3A_562 : vector<16xi32> to vector<16x1xi32>
    %gather3A_564 = vector.shape_cast %broadcast_in_dim3A_563 : vector<16x1xi32> to vector<16xi32>
    %gather3A_565 = tpu.dynamic_gather %min3A_559[%gather3A_564] in [0] : vector<16xi32>, vector<16xi32> -> vector<16xi32>
    %min3A_566 = arith.minsi %min3A_559, %gather3A_565 : vector<16xi32>
    %xor3A_567 = arith.constant 4 : i32
    %xor3A_568 = vector.broadcast %xor3A_567 : i32 to vector<16xi32>
    %xor3A_569 = arith.xori %iota3A, %xor3A_568 : vector<16xi32>
    %broadcast_in_dim3A_570 = vector.shape_cast %xor3A_569 : vector<16xi32> to vector<16x1xi32>
    %gather3A_571 = vector.shape_cast %broadcast_in_dim3A_570 : vector<16x1xi32> to vector<16xi32>
    %gather3A_572 = tpu.dynamic_gather %min3A_566[%gather3A_571] in [0] : vector<16xi32>, vector<16xi32> -> vector<16xi32>
    %min3A_573 = arith.minsi %min3A_566, %gather3A_572 : vector<16xi32>
    %xor3A_574 = arith.constant 8 : i32
    %xor3A_575 = vector.broadcast %xor3A_574 : i32 to vector<16xi32>
    %xor3A_576 = arith.xori %iota3A, %xor3A_575 : vector<16xi32>
    %broadcast_in_dim3A_577 = vector.shape_cast %xor3A_576 : vector<16xi32> to vector<16x1xi32>
    %gather3A_578 = vector.shape_cast %broadcast_in_dim3A_577 : vector<16x1xi32> to vector<16xi32>
    %gather3A_579 = tpu.dynamic_gather %min3A_573[%gather3A_578] in [0] : vector<16xi32>, vector<16xi32> -> vector<16xi32>
    %min3A_580 = arith.minsi %min3A_573, %gather3A_579 : vector<16xi32>
    %sub3A_581 = arith.subf %max3A_548, %max3A_484 : vector<16xf32>
    %exp3A_582 = math.exp %sub3A_581 : vector<16xf32>
    %add3A_583 = arith.constant 1.000000e+00 : f32
    %add3A_584 = vector.broadcast %add3A_583 : f32 to vector<16xf32>
    %add3A_585 = arith.addf %add3A_584, %exp3A_582 : vector<16xf32>
    %div3A_586 = arith.constant 1.000000e+00 : f32
    %div3A_587 = vector.broadcast %div3A_586 : f32 to vector<16xf32>
    %div3A_588 = arith.divf %div3A_587, %add3A_585 : vector<16xf32>
    %eq3A_589 = arith.cmpi eq, %iota3A, %min3A_516 : vector<16xi32>
    %jit3A_590 = arith.constant 0.000000e+00 : f32
    %broadcast_in_dim3A_591 = vector.broadcast %jit3A_590 : f32 to vector<16xf32>
    %select_n3A_592 = arith.select %eq3A_589, %div3A_588, %broadcast_in_dim3A_591 : vector<16xi1>, vector<16xf32>
    %eq3A_593 = arith.cmpi eq, %iota3A, %min3A_580 : vector<16xi32>
    %sub3A_594 = arith.constant 1.000000e+00 : f32
    %sub3A_595 = vector.broadcast %sub3A_594 : f32 to vector<16xf32>
    %sub3A_596 = arith.subf %sub3A_595, %div3A_588 : vector<16xf32>
    %jit3A_597 = arith.constant 0.000000e+00 : f32
    %broadcast_in_dim3A_598 = vector.broadcast %jit3A_597 : f32 to vector<16xf32>
    %select_n3A_599 = arith.select %eq3A_593, %sub3A_596, %broadcast_in_dim3A_598 : vector<16xi1>, vector<16xf32>
    %add3A_600 = arith.addf %select_n3A_592, %select_n3A_599 : vector<16xf32>
    %swap3A_601 = arith.constant 3 : i32
    %swap3A_602 = arith.index_cast %swap3A_601 : i32 to index
    %swap3A_603 = arith.constant 0 : index
    %swap3A_604 = tpu.vector_load %arg5[%swap3A_602, %swap3A_603] {strides = array<i32>} : memref<4x16xf32, #tpu.memory_space<vmem>>, vector<1x16xf32>,
    %swap3A_605 = vector.shape_cast %swap3A_604 : vector<1x16xf32> to vector<16xf32>
    %swap3A_606 = vector.shape_cast %add3A_600 : vector<16xf32> to vector<1x16xf32>
    tpu.vector_store %arg5[%swap3A_602, %swap3A_603], %swap3A_606 {strides = array<i32>} : memref<4x16xf32, #tpu.memory_space<vmem>>, vector<1x16xf32>,
    "tpu.region"() ({
      %run_scoped3A = tpu.sem_alloc : memref<!tpu.dma_semaphore, #tpu.memory_space<semaphore_mem>>
      %dma_start3A = arith.constant 0 : i32
      %dma_start3A_607 = tpu.memref_slice %arg3[%mul3A_0, %dma_start3A] : memref<64x16xf32, #tpu.memory_space<hbm>> -> memref<4x16xf32, #tpu.memory_space<hbm>>
      %dma_start3A_608 = arith.constant 0 : i32
      %dma_start3A_609 = tpu.memref_slice %arg3[%mul3A_0, %dma_start3A_608] : memref<64x16xf32, #tpu.memory_space<hbm>> -> memref<4x16xf32, #tpu.memory_space<hbm>>
      tpu.enqueue_dma source(%arg5 : memref<4x16xf32, #tpu.memory_space<vmem>>) target(%dma_start3A_609 : memref<4x16xf32, #tpu.memory_space<hbm>>) target_semaphore(%run_scoped3A : memref<!tpu.dma_semaphore, #tpu.memory_space<semaphore_mem>>)
      %dma_wait3A = arith.constant 0 : i32
      %dma_wait3A_610 = tpu.memref_slice %arg3[%mul3A_0, %dma_wait3A] : memref<64x16xf32, #tpu.memory_space<hbm>> -> memref<4x16xf32, #tpu.memory_space<hbm>>
      %dma_wait3A_611 = arith.constant 0 : i32
      %dma_wait3A_612 = tpu.memref_slice %arg3[%mul3A_0, %dma_wait3A_611] : memref<64x16xf32, #tpu.memory_space<hbm>> -> memref<4x16xf32, #tpu.memory_space<hbm>>
      tpu.wait_dma2 semaphore(%run_scoped3A : memref<!tpu.dma_semaphore, #tpu.memory_space<semaphore_mem>>) src(%arg5 : memref<4x16xf32, #tpu.memory_space<vmem>>) dst(%dma_wait3A_612 : memref<4x16xf32, #tpu.memory_space<hbm>>)
      tpu.yield
    }) : () -> ()
    return
  }
}

module attributes {stable_mosaic.version = 14 : i64} {
  func.func @_logits_kernel(%arg0: memref<64x1024xf32, #tpu.memory_space<vmem>>, %arg1: memref<16x1024xf32, #tpu.memory_space<vmem>>, %arg2: memref<64x16xf32, #tpu.memory_space<vmem>>) attributes {dimension_semantics = [], scalar_prefetch = 0 : i64, scratch_operands = 0 : i64, tpu.core_type = #tpu.core_type<tc>} {
    %get3A = arith.constant 0 : index
    %get3A_0 = arith.constant 0 : index
    %get3A_1 = vector.load %arg0[%get3A, %get3A_0] : memref<64x1024xf32, #tpu.memory_space<vmem>>, vector<64x1024xf32>
    %get3A_2 = arith.constant 0 : index
    %get3A_3 = arith.constant 0 : index
    %get3A_4 = vector.load %arg1[%get3A_2, %get3A_3] : memref<16x1024xf32, #tpu.memory_space<vmem>>, vector<16x1024xf32>
    %dot_general3A = arith.constant dense<0.000000e+00> : vector<64x16xf32>
    %dot_general3A_5 = tpu.matmul %get3A_1, %get3A_4, %dot_general3A {dimension_numbers = #tpu.dot_dimension_numbers<[1], [1], [0], [0], [0, 0, 1, 0], [], []>, transpose_lhs_hint = false} : vector<64x1024xf32>, vector<16x1024xf32>, vector<64x16xf32> -> vector<64x16xf32>
    %swap3A = arith.constant 0 : index
    %swap3A_6 = arith.constant 0 : index
    %swap3A_7 = vector.load %arg2[%swap3A, %swap3A_6] : memref<64x16xf32, #tpu.memory_space<vmem>>, vector<64x16xf32>
    tpu.vector_store %arg2[%swap3A, %swap3A_6], %dot_general3A_5 {strides = array<i32>} : memref<64x16xf32, #tpu.memory_space<vmem>>, vector<64x16xf32>,
    return
  }
}

module attributes {stable_mosaic.version = 14 : i64} {
  func.func @_ffn_kernel(%arg0: i32, %arg1: i32, %arg2: memref<64x1024xf32, #tpu.memory_space<vmem>>, %arg3: memref<64x16xf32, #tpu.memory_space<vmem>>, %arg4: memref<1x1024x1024xf32, #tpu.memory_space<vmem>>, %arg5: memref<1x1024x1024xf32, #tpu.memory_space<vmem>>, %arg6: memref<1x1024x1024xf32, #tpu.memory_space<vmem>>, %arg7: memref<64x1024xf32, #tpu.memory_space<vmem>>, %arg8: memref<16x64xf32, #tpu.memory_space<vmem>>) attributes {dimension_semantics = [#tpu.dimension_semantics<arbitrary>, #tpu.dimension_semantics<arbitrary>], iteration_bounds = array<i64: 16, 4>, scalar_prefetch = 0 : i64, scratch_operands = 1 : i64, tpu.core_type = #tpu.core_type<tc>, window_params = [{pipeline_mode = #tpu.pipeline_mode<synchronous>, transform_indices = @transform_0, window_bounds = array<i64: 64, 1024>}, {pipeline_mode = #tpu.pipeline_mode<synchronous>, transform_indices = @transform_1, window_bounds = array<i64: 64, 16>}, {transform_indices = @transform_2, window_bounds = array<i64: 1, 1024, 1024>}, {transform_indices = @transform_3, window_bounds = array<i64: 1, 1024, 1024>}, {transform_indices = @transform_4, window_bounds = array<i64: 1, 1024, 1024>}, {pipeline_mode = #tpu.pipeline_mode<synchronous>, transform_indices = @transform_5, window_bounds = array<i64: 64, 1024>}]} {
    %eq3A = arith.constant 0 : i32
    %eq3A_0 = arith.cmpi eq, %arg0, %eq3A : i32
    %eq3A_1 = arith.constant 0 : i32
    %eq3A_2 = arith.cmpi eq, %arg1, %eq3A_1 : i32
    %and3A = arith.andi %eq3A_0, %eq3A_2 : i1
    %convert_element_type3A = arith.extui %and3A : i1 to i32
    %cond3A = arith.constant 0 : i32
    %cond3A_3 = arith.cmpi ne, %convert_element_type3A, %cond3A : i32
    scf.if %cond3A_3 {
      %get3A_46 = arith.constant 0 : index
      %get3A_47 = arith.constant 0 : index
      %get3A_48 = vector.load %arg3[%get3A_46, %get3A_47] : memref<64x16xf32, #tpu.memory_space<vmem>>, vector<64x16xf32>
      %transpose3A = tpu.transpose %get3A_48, [1, 0] : vector<64x16xf32> -> vector<16x64xf32>
      %swap3A_49 = arith.constant 0 : index
      %swap3A_50 = arith.constant 0 : index
      %swap3A_51 = vector.load %arg8[%swap3A_49, %swap3A_50] : memref<16x64xf32, #tpu.memory_space<vmem>>, vector<16x64xf32>
      tpu.vector_store %arg8[%swap3A_49, %swap3A_50], %transpose3A {strides = array<i32>} : memref<16x64xf32, #tpu.memory_space<vmem>>, vector<16x64xf32>,
      %broadcast_in_dim3A_52 = arith.constant 0.000000e+00 : f32
      %broadcast_in_dim3A_53 = vector.broadcast %broadcast_in_dim3A_52 : f32 to vector<64x1024xf32>
      %swap3A_54 = arith.constant 0 : index
      %swap3A_55 = arith.constant 0 : index
      %swap3A_56 = vector.load %arg7[%swap3A_54, %swap3A_55] : memref<64x1024xf32, #tpu.memory_space<vmem>>, vector<64x1024xf32>
      tpu.vector_store %arg7[%swap3A_54, %swap3A_55], %broadcast_in_dim3A_53 {strides = array<i32>} : memref<64x1024xf32, #tpu.memory_space<vmem>>, vector<64x1024xf32>,
    } else {
    }
    %get3A = arith.index_cast %arg0 : i32 to index
    %get3A_4 = arith.constant 0 : index
    %get3A_5 = vector.load %arg8[%get3A, %get3A_4] : memref<16x64xf32, #tpu.memory_space<vmem>>, vector<1x64xf32>
    %get3A_6 = vector.shape_cast %get3A_5 : vector<1x64xf32> to vector<64xf32>
    %get3A_7 = arith.constant 0 : index
    %get3A_8 = arith.constant 0 : index
    %get3A_9 = vector.load %arg2[%get3A_7, %get3A_8] : memref<64x1024xf32, #tpu.memory_space<vmem>>, vector<64x1024xf32>
    %broadcast_in_dim3A = vector.shape_cast %get3A_6 : vector<64xf32> to vector<64x1xf32>
    %mul3A = vector.broadcast %broadcast_in_dim3A : vector<64x1xf32> to vector<64x1024xf32>
    %mul3A_10 = arith.mulf %get3A_9, %mul3A : vector<64x1024xf32>
    %get3A_11 = arith.constant 0 : index
    %get3A_12 = arith.constant 0 : index
    %get3A_13 = arith.constant 0 : index
    %get3A_14 = vector.load %arg4[%get3A_11, %get3A_12, %get3A_13] : memref<1x1024x1024xf32, #tpu.memory_space<vmem>>, vector<1x1024x1024xf32>
    %get3A_15 = vector.shape_cast %get3A_14 : vector<1x1024x1024xf32> to vector<1024x1024xf32>
    %dot_general3A = arith.constant dense<0.000000e+00> : vector<64x1024xf32>
    %dot_general3A_16 = tpu.matmul %mul3A_10, %get3A_15, %dot_general3A {dimension_numbers = #tpu.dot_dimension_numbers<[1], [1], [0], [0], [0, 0, 1, 0], [], []>, transpose_lhs_hint = false} : vector<64x1024xf32>, vector<1024x1024xf32>, vector<64x1024xf32> -> vector<64x1024xf32>
    %get3A_17 = arith.constant 0 : index
    %get3A_18 = arith.constant 0 : index
    %get3A_19 = arith.constant 0 : index
    %get3A_20 = vector.load %arg5[%get3A_17, %get3A_18, %get3A_19] : memref<1x1024x1024xf32, #tpu.memory_space<vmem>>, vector<1x1024x1024xf32>
    %get3A_21 = vector.shape_cast %get3A_20 : vector<1x1024x1024xf32> to vector<1024x1024xf32>
    %dot_general3A_22 = arith.constant dense<0.000000e+00> : vector<64x1024xf32>
    %dot_general3A_23 = tpu.matmul %mul3A_10, %get3A_21, %dot_general3A_22 {dimension_numbers = #tpu.dot_dimension_numbers<[1], [1], [0], [0], [0, 0, 1, 0], [], []>, transpose_lhs_hint = false} : vector<64x1024xf32>, vector<1024x1024xf32>, vector<64x1024xf32> -> vector<64x1024xf32>
    %jit3A = arith.constant -1.000000e+01 : f32
    %jit3A_24 = arith.constant 1.000000e+01 : f32
    %max3A = vector.broadcast %jit3A : f32 to vector<64x1024xf32>
    %max3A_25 = arith.maximumf %max3A, %dot_general3A_16 : vector<64x1024xf32>
    %min3A = vector.broadcast %jit3A_24 : f32 to vector<64x1024xf32>
    %min3A_26 = arith.minimumf %min3A, %max3A_25 : vector<64x1024xf32>
    %logistic3A = arith.negf %min3A_26 : vector<64x1024xf32>
    %logistic3A_27 = math.exp %logistic3A : vector<64x1024xf32>
    %logistic3A_28 = arith.constant 1.000000e+00 : f32
    %logistic3A_29 = vector.broadcast %logistic3A_28 : f32 to vector<64x1024xf32>
    %logistic3A_30 = arith.addf %logistic3A_29, %logistic3A_27 : vector<64x1024xf32>
    %logistic3A_31 = arith.divf %logistic3A_29, %logistic3A_30 : vector<64x1024xf32>
    %mul3A_32 = arith.mulf %min3A_26, %logistic3A_31 : vector<64x1024xf32>
    %mul3A_33 = arith.mulf %mul3A_32, %dot_general3A_23 : vector<64x1024xf32>
    %get3A_34 = arith.constant 0 : index
    %get3A_35 = arith.constant 0 : index
    %get3A_36 = vector.load %arg7[%get3A_34, %get3A_35] : memref<64x1024xf32, #tpu.memory_space<vmem>>, vector<64x1024xf32>
    %get3A_37 = arith.constant 0 : index
    %get3A_38 = arith.constant 0 : index
    %get3A_39 = arith.constant 0 : index
    %get3A_40 = vector.load %arg6[%get3A_37, %get3A_38, %get3A_39] : memref<1x1024x1024xf32, #tpu.memory_space<vmem>>, vector<1x1024x1024xf32>
    %get3A_41 = vector.shape_cast %get3A_40 : vector<1x1024x1024xf32> to vector<1024x1024xf32>
    %dot_general3A_42 = arith.constant dense<0.000000e+00> : vector<64x1024xf32>
    %dot_general3A_43 = tpu.matmul %mul3A_33, %get3A_41, %dot_general3A_42 {dimension_numbers = #tpu.dot_dimension_numbers<[1], [1], [0], [0], [0, 0, 1, 0], [], []>, transpose_lhs_hint = false} : vector<64x1024xf32>, vector<1024x1024xf32>, vector<64x1024xf32> -> vector<64x1024xf32>
    %add3A = arith.addf %get3A_36, %dot_general3A_43 : vector<64x1024xf32>
    %swap3A = arith.constant 0 : index
    %swap3A_44 = arith.constant 0 : index
    %swap3A_45 = vector.load %arg7[%swap3A, %swap3A_44] : memref<64x1024xf32, #tpu.memory_space<vmem>>, vector<64x1024xf32>
    tpu.vector_store %arg7[%swap3A, %swap3A_44], %add3A {strides = array<i32>} : memref<64x1024xf32, #tpu.memory_space<vmem>>, vector<64x1024xf32>,
    return
  }
  func.func @transform_0(%arg0: i32, %arg1: i32) -> (i32, i32) {
    %c0_i32 = arith.constant 0 : i32
    %c0_i32_0 = arith.constant 0 : i32
    %c0_i32_1 = arith.constant 0 : i32
    return %c0_i32, %c0_i32_0 : i32, i32
  }
  func.func @transform_1(%arg0: i32, %arg1: i32) -> (i32, i32) {
    %c0_i32 = arith.constant 0 : i32
    %c0_i32_0 = arith.constant 0 : i32
    %c0_i32_1 = arith.constant 0 : i32
    return %c0_i32, %c0_i32_0 : i32, i32
  }
  func.func @transform_2(%arg0: i32, %arg1: i32) -> (i32, i32, i32) {
    %c0_i32 = arith.constant 0 : i32
    %c0_i32_0 = arith.constant 0 : i32
    return %arg0, %arg1, %c0_i32 : i32, i32, i32
  }
  func.func @transform_3(%arg0: i32, %arg1: i32) -> (i32, i32, i32) {
    %add3A = arith.constant 4 : i32
    %add3A_0 = arith.addi %arg1, %add3A : i32
    %c0_i32 = arith.constant 0 : i32
    %c0_i32_1 = arith.constant 0 : i32
    return %arg0, %add3A_0, %c0_i32 : i32, i32, i32
  }
  func.func @transform_4(%arg0: i32, %arg1: i32) -> (i32, i32, i32) {
    %c0_i32 = arith.constant 0 : i32
    %c0_i32_0 = arith.constant 0 : i32
    return %arg0, %c0_i32, %arg1 : i32, i32, i32
  }
  func.func @transform_5(%arg0: i32, %arg1: i32) -> (i32, i32) {
    %c0_i32 = arith.constant 0 : i32
    %c0_i32_0 = arith.constant 0 : i32
    %c0_i32_1 = arith.constant 0 : i32
    return %c0_i32, %c0_i32_0 : i32, i32
  }
}

</mosaic_0001>

<sc_bundles>
// kernel: kernel.5.cloned.1.call-start
scs
__scs_entry_jumppad:
0x0: {  	(pc) =	sbr.rel $0x88, $3  }
0x1: {  	(tag) =	ssettag $0x0;
	lr =	simm.s32 $0x1  }
0x2: {  	[smem:$0x3F9D] =	sst lr;
	_ =	strace $0xD0000000  }
0x3: {  	_ = 	snop  }
0x4: {  	_ = 	snop  }
0x5: {  	_ = 	snop  }
0x6: {  	_ = 	snop  }
0x7: {  	_ = 	snop  }
__scs_overlays_trampoline_lowered:
0x8: {  	[smem:$0x3FAC] =	sst s0  }
0x9: {  	[smem:$0x3FAD] =	sst s1  }
0xa: {  	[smem:$0x3FAE] =	sst s2  }
0xb: {  	[smem:$0x3FAF] =	sst s3  }
0xc: {  	[smem:$0x3FB0] =	sst s4  }
0xd: {  	[smem:$0x3FB1] =	sst s5  }
0xe: {  	[smem:$0x3FB2] =	sst s6  }
0xf: {  	[smem:$0x3FB3] =	sst s7  }
0x10: {  	[smem:$0x3FB4] =	sst s8  }
0x11: {  	[smem:$0x3FB5] =	sst s9;
	s0 =	simm.s32 @!p0 $0x0  }
0x12: {  	s1 =	sld [smem:$0x3F9B];
	s0 =	simm.s32 @p0 $0x1  }
0x13: {  	[smem:$0x3FB6] =	sst s0;
	s0 =	simm.s32 @!p1 $0x0  }
0x14: {  	s2 =	sld [smem:$0x3F9A];
	s0 =	simm.s32 @p1 $0x1  }
0x15: {  	[smem:$0x3FB7] =	sst s0;
	s0 =	simm.s32 @!p2 $0x0  }
0x16: {  	s3 =	sld [smem:$0x3FDB];
	s0 =	simm.s32 @p2 $0x1  }
0x17: {  	s4 =	simm.s32 $0x1BF5;
	[smem:$0x3FB9] =	sst s0  }
0x18: {  	s0 =	sld [smem:$0x3F9C];
	_ =	swait.ge [sflag:s4], $0x0  }
0x19: {  	s7 =	sld [smem:$0x3F9D]  }
0x1a: {  	s8 =	sadd.s32 $0xFFFFE003, lr  }
0x1b: {  	s9 =	sadd.s32 $0xFFFFFEF7, lr;
	s5 =	simm.s32 $0xFFFFFFFF;
	p2 =	slt.u32 s8, $0xFFFFF086  }
0x1c: {  	p1 =	slt.u32 s9, $0xF7A;
	s5 =	simm.s32 @!p2 $0x0  }
0x1d: {  	s5 =	simm.s32 @p1 $0x1;
	p0 =	seq.s32 s7, s2  }
0x1e: {  	s7 =	smul.u32 @!p0 $0xF7A, s2;
	p2 =	seq.s32 @!p0 s5, $0x0  }
0x1f: {  	s9 =	smul.u32 $0xF7A, s1;
	s8 =	simm.s32 @!p0 $0x1BF5;
	p2 =	por !p2, p0  }
0x20: {  	[sflag:s8] =	ssyncset.s32 @!p0 $0xFFFFF086;
	s6 =	sadd.s32 @!p0 s3, s7;
	s7 =	simm.s32 @!p0 $0x108  }
0x21: {  	s3 =	sadd.s32 s3, s9;
	s6 =	sadd.s32 @!p0 $0x88, s6;
	s7 =	simm.s32 @p2 $0x1082  }
0x22: {  	[simem:s7], [sflag:s8] =	dma.local @!p0 [hbm:s6], $0xF7A  }
0x23: {  	s9 =	sor.u32 $0xD0000000, s2;
	s6 =	simm.s32 $0x108;
	_ =	swait.ge @!p0 [sflag:s8], $0x0  }
0x24: {  	s3 =	sadd.s32 $0x88, s3;
	s6 =	simm.s32 @!p1 $0x1082;
	[sflag:s4] =	ssyncset.s32 $0xFFFFF086  }
0x25: {  	[simem:s6], [sflag:s4] =	dma.local [hbm:s3], $0xF7A  }
0x26: {  	[smem:$0x3F9D] =	sst s1;
	(tag) =	ssettag s2;
	_ =	strace s9  }
0x27: {  	s1 =	sld [smem:$0x3FAD]  }
0x28: {  	s2 =	sld [smem:$0x3FAE]  }
0x29: {  	s4 =	sld [smem:$0x3FB0]  }
0x2a: {  	p0 =	seq.s32 s5, $0x0;
	s5 =	sld [smem:$0x3FB1]  }
0x2b: {  	s6 =	sld [smem:$0x3FB2]  }
0x2c: {  	s7 =	sld [smem:$0x3FB3]  }
0x2d: {  	s3 =	simm.s32 $0x108;
	s8 =	sld [smem:$0x3FB4]  }
0x2e: {  	s3 =	simm.s32 @!p0 $0x1082;
	s9 =	sld [smem:$0x3FB5]  }
0x2f: {  	lr =	sadd.s32 s0, s3;
	s0 =	sld [smem:$0x3FAC]  }
0x30: {  	s3 =	sld [smem:$0x3FAF]  }
0x31: {  	[smem:$0x3FB8] =	sst s10  }
0x32: {  	s10 =	sld [smem:$0x3FB6];
	_ =	sdelay $0x3  }
0x33: {  	p0 =	seq.s32 s10, $0x1;
	s10 =	sld [smem:$0x3FB8];
	_ =	sdelay $0x3  }
0x34: {  	[smem:$0x3FB8] =	sst s10  }
0x35: {  	s10 =	sld [smem:$0x3FB7];
	_ =	sdelay $0x3  }
0x36: {  	p1 =	seq.s32 s10, $0x1;
	s10 =	sld [smem:$0x3FB8];
	_ =	sdelay $0x3  }
0x37: {  	[smem:$0x3FB8] =	sst s10  }
0x38: {  	s10 =	sld [smem:$0x3FB9]  }
0x39: {  	_ = 	snop;
	(pc) =	sbr.ind lr, $3  }
0x3a: {  	_ = 	snop  }
0x3b: {  	_ = 	snop  }
0x3c: {  	p2 =	seq.s32 s10, $0x1;
	s10 =	sld [smem:$0x3FB8]  }
0x3d: {  	_ =	shalt  }
0x3e: {  	_ =	shalt  }
0x3f: {  	_ =	shalt  }
0x40: {  	_ =	shalt  }
0x41: {  	_ =	shalt  }
0x42: {  	_ =	shalt  }
0x43: {  	_ =	shalt  }
0x44: {  	_ =	shalt  }
0x45: {  	_ =	shalt  }
0x46: {  	_ =	shalt  }
0x47: {  	_ =	shalt  }
0x48: {  	_ =	shalt  }
0x49: {  	_ =	shalt  }
0x4a: {  	_ =	shalt  }
0x4b: {  	_ =	shalt  }
0x4c: {  	_ =	shalt  }
0x4d: {  	_ =	shalt  }
0x4e: {  	_ =	shalt  }
0x4f: {  	_ =	shalt  }
0x50: {  	_ =	shalt  }
0x51: {  	_ =	shalt  }
0x52: {  	_ =	shalt  }
0x53: {  	_ =	shalt  }
0x54: {  	_ =	shalt  }
0x55: {  	_ =	shalt  }
0x56: {  	_ =	shalt  }
0x57: {  	_ =	shalt  }
0x58: {  	_ =	shalt  }
0x59: {  	_ =	shalt  }
0x5a: {  	_ =	shalt  }
0x5b: {  	_ =	shalt  }
0x5c: {  	_ =	shalt  }
0x5d: {  	_ =	shalt  }
0x5e: {  	_ =	shalt  }
0x5f: {  	_ =	shalt  }
0x60: {  	_ =	shalt  }
0x61: {  	_ =	shalt  }
0x62: {  	_ =	shalt  }
0x63: {  	_ =	shalt  }
0x64: {  	_ =	shalt  }
0x65: {  	_ =	shalt  }
0x66: {  	_ =	shalt  }
0x67: {  	_ =	shalt  }
0x68: {  	_ =	shalt  }
0x69: {  	_ =	shalt  }
0x6a: {  	_ =	shalt  }
0x6b: {  	_ =	shalt  }
0x6c: {  	_ =	shalt  }
0x6d: {  	_ =	shalt  }
0x6e: {  	_ =	shalt  }
0x6f: {  	_ =	shalt  }
0x70: {  	_ =	shalt  }
0x71: {  	_ =	shalt  }
0x72: {  	_ =	shalt  }
0x73: {  	_ =	shalt  }
0x74: {  	_ =	shalt  }
0x75: {  	_ =	shalt  }
0x76: {  	_ =	shalt  }
0x77: {  	_ =	shalt  }
0x78: {  	_ =	shalt  }
0x79: {  	_ =	shalt  }
0x7a: {  	_ =	shalt  }
0x7b: {  	_ =	shalt  }
0x7c: {  	_ =	shalt  }
0x7d: {  	_ =	shalt  }
0x7e: {  	_ =	shalt  }
0x7f: {  	_ =	shalt  }
0x80: {  	_ =	shalt  }
0x81: {  	_ =	shalt  }
0x82: {  	_ =	shalt  }
0x83: {  	_ =	shalt  }
0x84: {  	_ =	shalt  }
0x85: {  	_ =	shalt  }
0x86: {  	_ =	shalt  }
0x87: {  	_ =	shalt  }
.Lfunc_end0:
.L_simem_size_0:
called_computation_lowered:
.L_overlay_start_0:
0x88: {  	s0 =	sld [smem:$0x3FD9]  }
0x89: {  	s1 =	sld [smem:$0x3FFE];
	_ =	sdelay $0x3  }
0x8a: {  	s0 =	sadd.s32 s1, s0  }
0x8b: {  	[smem:$0x3FC4] =	sst s0  }
0x8c: {  	_ = 	snop  }
0x8d: {  	s0 =	sld [smem:$0x3FD0];
	(tm) =	ssettm $0x1  }
0x8e: {  	s16 =	sld [smem:$0x3FFB];
	_ =	sdelay $0x3  }
0x8f: {  	_ =	strace s16  }
0x90: {  	s1 =	sld [smem:$0x3FFC];
	_ =	sdelay $0x3  }
0x91: {  	_ =	strace s1  }
0x92: {  	s1 =	sld [smem:$0x3FFD];
	_ =	sdelay $0x3  }
0x93: {  	_ =	strace s1  }
0x94: {  	_ =	strace $0x8FFFFFFF  }
0x95: {  	s17 =	sld [smem:$0x3FDB];
	_ =	sdelay $0x1  }
0x96: {  	s2 =	simm.s32 $_scs_section_size  }
0x97: {  	s3 =	simm.s32 $_size__tile_overlayer_lowered;
	s4 =	simm.s32 $_tile_overlayer_lowered  }
0x98: {  	s20 =	simm.s32 $0x1BFF;
	s19 =	sshll.u32 s4, $0x1;
	s1 =	sadd.s32 s2, s17  }
0x99: {  	s5 =	simm.s32 $0x0;
	s18 =	sshll.u32 s3, $0x1;
	s3 =	sadd.s32 s19, s1  }
0x9a: {  	[timem:s5], [sflag:s20] =	dma.local [hbm:s3], s18  }
0x9b: {  	_ =	swait.ge [sflag:s20], s18  }
0x9c: {  	s2 =	ssub.s32 $0x0, s18;
	[sflag:s20] =	ssyncset.done $0x0  }
0x9d: {  	[sflag:s20] =	ssyncadd.s32 s2;
	_ =	sdelay $0x1  }
0x9e: {  	s21 =	simm.s32 $0x1B8B  }
0x9f: {  	_ =	swait.ge [sflag:s21], $0x1  }
0xa0: {  	[sflag:s21] =	ssyncset.done $0x0  }
0xa1: {  	s23 =	simm.s32 $0x1B8E;
	s22 =	sld [smem:$0x3FFE];
	[sflag:s21] =	ssyncadd.s32 $0xFFFFFFFF  }
0xa2: {  	s24 =	simm.s32 $execute0_lowered;
	[smem:$0x3FD2] =	sst s23  }
0xa3: {  	s3 =	sshll.u32 s24, $0x1;
	_ =	strace $0x80000046;
	[dreg:$0x1] =	wrdreg $0xFFFFFFFF  }
0xa4: {  	s25 =	simm.s32 $_size_execute0_lowered;
	s1 =	sadd.s32 s1, s3;
	[dreg:$0x0] =	wrdreg $0x0  }
0xa5: {  	s3 =	sshll.u32 s25, $0x1;
	[dreg:$0x2] =	wrdreg s1  }
0xa6: {  	[dreg:$0x3] =	wrdreg s3  }
0xa7: {  	[dreg:$0x4] =	wrdreg $0xC0  }
0xa8: {  	_ =	task [dreg:s5], $0x5FFFF  }
0xa9: {  	[dreg:$0x1] =	wrdreg $0xFFFFFFFF  }
0xaa: {  	[dreg:$0x0] =	wrdreg $0x60  }
0xab: {  	[dreg:$0x2] =	wrdreg s0  }
0xac: {  	[dreg:$0x3] =	wrdreg s22  }
0xad: {  	[dreg:$0x4] =	wrdreg $0x9  }
0xae: {  	_ =	task.clear_ibuf [dreg:s5], $0x5FFFF;
	_ =	strace $0x90000046  }
0xaf: {  	s26 =	simm.s32 $0x9;
	_ =	strace $0x80000048  }
0xb0: {  	_ =	swait.ge [sflag:s26], $0x1  }
0xb1: {  	[sflag:s26] =	ssyncadd.s32 $0xFFFFFFFF  }
0xb2: {  	_ =	strace $0x90000048  }
0xb3: {  	_ =	sfence  }
0xb4: {  	s28 =	sld [smem:$0x0];
	_ =	sdelay $0x1  }
0xb5: {  	s29 =	srdreg.scid  }
0xb6: {  	s30 =	sshll.u32 s29, $0xD;
	s31 =	sshrl.u32 s29, $0x2  }
0xb7: {  	s2 =	sand.u32 $0x4000, s30;
	s1 =	sand.u32 $0x1, s29;
	s0 =	sadd.s32 s31, s28  }
0xb8: {  	s1 =	sor.u32 s2, s1;
	s0 =	sshll.u32 s0, $0x11  }
0xb9: {  	s0 =	sor.u32 s0, s1  }
0xba: {  	s0 =	sadd.s32 $0x8F2B, s0  }
0xbb: {  	[sflag:s0] =	ssyncadd.remote.s32 $0x1  }
0xbc: {  	_ =	sfence.sel $0xFFFF  }
0xbd: {  	[dreg:$0x0] =	wrdreg $0xFFFFFFFF;
	(pc) =	sbr.abs _section_cstart, $3  }
0xbe: {  	[dreg:$0x1] =	wrdreg $0xFFFFFFFF  }
0xbf: {  	_ =	task.clear_ibuf [dreg:s5], $0x2FFFF;
	_ =	strace $0x9FFFFFFF  }
0xc0: {  	(tm) =	ssettm $0x7FFFFFFF  }
0xc1: {  	_ =	shalt  }
tec
execute0_lowered:
.L_overlay_start_1:
0x0: {  	(tag) =	ssettag $0x1  }
0x1: {  	s4 =	rddreg [dreg:$0x0]  }
0x2: {  	s3 =	rddreg [dreg:$0x1]  }
0x3: {  	s0 =	rddreg [dreg:$0x2];
	s2 =	simm.s32 $0x0;
	s1 =	stileid.u32  }
0x4: {  	[smem:$0x7FF] =	sst s2;
	s5 =	sshll.u32 s1, $0x6  }
0x5: {  	s30 =	simm.s32 $0x1;
	v0 =	vimm.s32 $0xEFCDAB89;
	_ =	strace $0x80000047;
	s4 =	sadd.s32 s4, s5  }
0x6: {  	v1 =	vimm.s32 $0x67452301;
	[tilespmem:s2], [sflag:$0x1] =	stream.linear.gather [hbm4b:s4+s2], $0x200, $0x38;
	[tilespmem:$0x400] =	vst v63  }
0x7: {  	v0 =	vunpack.c.l.s4.s8 v0;
	v1 =	vunpack.c.l.s4.s8 v1;
	_ =	swait.ge [sflag:s30], $0x200  }
0x8: {  	[sflag:s30] =	ssyncset.done $0x0  }
0x9: {  	v0 =	vunpack.c.0.s8.s32 v0;
	v1 =	vunpack.c.0.s8.s32 v1;
	[sflag:s30] =	ssyncadd.s32 $0xFFFFFE00  }
0xa: {  	v30 =	vimm.s32 $0xDCFE98BA;
	v2 =	vimm.s32 $0x54761032;
	v5 =	vld [tilespmem:$0x0]  }
0xb: {  	v31 =	vunpack.c.l.s4.s8 v2;
	v0 =	vcombine.low v1, v0;
	v1 =	vunpack.c.l.s4.s8 v30  }
0xc: {  	v4 =	vimm.s32 $0xBA98FEDC;
	v6 =	vimm.s32 $0x32107654  }
0xd: {  	v3 =	vand.u32 $0xF, v0;
	v1 =	vunpack.c.0.s8.s32 v1;
	v0 =	vunpack.c.0.s8.s32 v31  }
0xe: {  	v4 =	vunpack.c.l.s4.s8 v4;
	v6 =	vunpack.c.l.s4.s8 v6  }
0xf: {  	v7 =	vimm.s32 $0xFEDCBA98;
	v0 =	vcombine.low v0, v1;
	v32 =	vperm.xlane v5, v3  }
0x10: {  	v34 =	vimm.s32 $0x76543210;
	v33 =	vunpack.c.0.s8.s32 v4;
	v6 =	vunpack.c.0.s8.s32 v6  }
0x11: {  	v7 =	vunpack.c.l.s4.s8 v7;
	v4 =	vand.u32 $0xF, v0;
	v2 =	vmax.f32 v5, v32  }
0x12: {  	v1 =	vcombine.low v6, v33;
	v0 =	vunpack.c.l.s4.s8 v34;
	v8 =	vperm.xlane v2, v4  }
0x13: {  	v35 =	vunpack.c.0.s8.s32 v7  }
0x14: {  	v0 =	vunpack.c.0.s8.s32 v0;
	v36 =	vmax.f32 v2, v8;
	v2 =	vand.u32 $0xF, v1  }
0x15: {  	v37 =	vand.u32 $0xF, v35;
	v8 =	vperm.xlane v36, v2  }
0x16: {  	v40 =	vld [tilespmem:$0x80];
	v1 =	vcombine.low v37, v0  }
0x17: {  	v38 =	vmax.f32 v36, v8  }
0x18: {  	v39 =	vperm.xlane v38, v1;
	_ =	sdelay $0x1  }
0x19: {  	v6 =	vmax.f32 v38, v39  }
0x1a: {  	v10 =	vperm.xlane v40, v3;
	v0 =	vlaneseq.u32;
	vm0 =	veq.f32 v5, v6  }
0x1b: {  	v41 =	vnsel vm0, $0x10, v0  }
0x1c: {  	v42 =	vmax.f32 v40, v10;
	v9 =	vperm.xlane v41, v3  }
0x1d: {  	v11 =	vperm.xlane v42, v4  }
0x1e: {  	vm0 =	vlt.s32 v41, v9  }
0x1f: {  	v8 =	vsel vm0, v41, v9;
	v9 =	vmax.f32 v42, v11  }
0x20: {  	v43 =	vperm.xlane v8, v4;
	v44 =	vperm.xlane v9, v2;
	_ =	sdelay $0x1  }
0x21: {  	v12 =	vld [tilespmem:$0x100];
	vm0 =	vlt.s32 v8, v43;
	v9 =	vmax.f32 v9, v44  }
0x22: {  	v8 =	vsel vm0, v8, v43;
	v10 =	vperm.xlane v9, v1  }
0x23: {  	v45 =	vperm.xlane v8, v2  }
0x24: {  	v9 =	vmax.f32 v9, v10  }
0x25: {  	vm0 =	vlt.s32 v8, v45;
	vm4 =	veq.f32 v40, v9  }
0x26: {  	v13 =	vperm.xlane v12, v3;
	v8 =	vsel vm0, v8, v45;
	v46 =	vnsel vm4, $0x10, v0  }
0x27: {  	v11 =	vperm.xlane v8, v1;
	v47 =	vperm.xlane v46, v3  }
0x28: {  	v48 =	vmax.f32 v12, v13  }
0x29: {  	v50 =	vperm.xlane v48, v4;
	vm1 =	vlt.s32 v8, v11;
	vm5 =	vlt.s32 v46, v47  }
0x2a: {  	v8 =	vsel vm1, v8, v11;
	v10 =	vsel vm5, v46, v47  }
0x2b: {  	vm0 =	veq.s32 v8, v0;
	v14 =	vperm.xlane v10, v4;
	v8 =	vmax.f32 v48, v50  }
0x2c: {  	v53 =	vld [tilespmem:$0x180];
	v5 =	vsel vm0, $0xFF800000, v5;
	v15 =	vperm.xlane v8, v2  }
0x2d: {  	v49 =	vperm.xlane v5, v3;
	vm1 =	vlt.s32 v10, v14  }
0x2e: {  	v10 =	vsel vm1, v10, v14;
	v8 =	vmax.f32 v8, v15  }
0x2f: {  	v13 =	vmax.f32 v5, v49;
	v52 =	vperm.xlane v10, v2;
	v16 =	vperm.xlane v8, v1  }
0x30: {  	v51 =	vperm.xlane v13, v4  }
0x31: {  	v17 =	vperm.xlane v53, v3;
	vm1 =	vlt.s32 v10, v52;
	v8 =	vmax.f32 v8, v16  }
0x32: {  	v11 =	vmax.f32 v13, v51;
	v10 =	vsel vm1, v10, v52;
	vm6 =	veq.f32 v12, v8  }
0x33: {  	v54 =	vperm.xlane v11, v2;
	v56 =	vperm.xlane v10, v1;
	v57 =	vnsel vm6, $0x10, v0  }
0x34: {  	v59 =	vmax.f32 v53, v17;
	v58 =	vperm.xlane v57, v3  }
0x35: {  	v60 =	vperm.xlane v59, v4;
	v11 =	vmax.f32 v11, v54;
	vm7 =	vlt.s32 v10, v56  }
0x36: {  	v55 =	vperm.xlane v11, v1;
	v10 =	vsel vm7, v10, v56;
	vm2 =	vlt.s32 v57, v58  }
0x37: {  	vm1 =	veq.s32 v10, v0;
	v13 =	vsel vm2, v57, v58;
	v10 =	vmax.f32 v59, v60  }
0x38: {  	v11 =	vmax.f32 v11, v55;
	v7 =	vsel vm1, $0xFF800000, v40;
	v62 =	vperm.xlane v13, v4  }
0x39: {  	v15 =	vperm.xlane v10, v2;
	v6 =	vsub.f32 v11, v6;
	v61 =	vperm.xlane v7, v3  }
0x3a: {  	vm2 =	vlt.s32 v13, v62  }
0x3b: {  	v10 =	vmax.f32 v10, v15;
	v6 =	vmul.f32 $1.442695020e+00, v6;
	v63 =	vmax.f32 v7, v61  }
0x3c: {  	v13 =	vsel vm2, v13, v62;
	v21 =	vperm.xlane v10, v1;
	v16 =	vperm.xlane v63, v4  }
0x3d: {  	v20 =	vperm.xlane v13, v2;
	(erf) = vpow2.f32 v6  }
0x3e: {  	v10 =	vmax.f32 v10, v21  }
0x3f: {  	v6 =	vmax.f32 v63, v16;
	vm2 =	vlt.s32 v13, v20;
	vm8 =	veq.f32 v53, v10  }
0x40: {  	v16 =	vperm.xlane v6, v2;
	v13 =	vsel vm2, v13, v20;
	v22 =	vnsel vm8, $0x10, v0  }
0x41: {  	v15 =	vperm.xlane v13, v1;
	v18 =	vperm.xlane v22, v3  }
0x42: {  	v6 =	vmax.f32 v6, v16  }
0x43: {  	v23 =	vperm.xlane v6, v1;
	vm9 =	vlt.s32 v13, v15;
	vm3 =	vlt.s32 v22, v18  }
0x44: {  	v13 =	vsel vm9, v13, v15;
	v25 =	vsel vm3, v22, v18  }
0x45: {  	v6 =	vmax.f32 v6, v23;
	vm2 =	veq.s32 v13, v0;
	v16 =	vperm.xlane v25, v4  }
0x46: {  	v9 =	vsub.f32 v6, v9;
	v12 =	vsel vm2, $0xFF800000, v12;
	v24 =	vpop (erf)  }
0x47: {  	v26 =	vperm.xlane v12, v3;
	vm3 =	vlt.s32 v25, v16;
	v15 =	vadd.f32 $1.000000000e+00, v24  }
0x48: {  	v9 =	vmul.f32 $1.442695020e+00, v9;
	v13 =	vsel vm3, v25, v16  }
0x49: {  	v27 =	vmax.f32 v12, v26;
	v16 =	vperm.xlane v13, v2;
	(erf) = vrcp.f32 v15  }
0x4a: {  	v28 =	vperm.xlane v27, v4;
	(erf) = vpow2.f32 v9;
	_ =	sdelay $0x1  }
0x4b: {  	vm3 =	vlt.s32 v13, v16;
	v9 =	vmax.f32 v27, v28  }
0x4c: {  	v13 =	vsel vm3, v13, v16;
	v15 =	vperm.xlane v9, v2  }
0x4d: {  	v16 =	vperm.xlane v13, v1  }
0x4e: {  	v9 =	vmax.f32 v9, v15  }
0x4f: {  	vm3 =	vlt.s32 v13, v16;
	v15 =	vperm.xlane v9, v1  }
0x50: {  	v13 =	vsel vm3, v13, v16  }
0x51: {  	vm3 =	veq.s32 v13, v0;
	v9 =	vmax.f32 v9, v15;
	v29 =	vpop (erf)  }
0x52: {  	v14 =	vsel vm3, $0xFF800000, v53;
	v8 =	vsub.f32 v9, v8;
	v30 =	vpop (erf)  }
0x53: {  	v31 =	vperm.xlane v14, v3;
	v13 =	vadd.f32 $1.000000000e+00, v30  }
0x54: {  	v8 =	vmul.f32 $1.442695020e+00, v8  }
0x55: {  	v32 =	vmax.f32 v14, v31;
	(erf) = vrcp.f32 v13  }
0x56: {  	v33 =	vperm.xlane v32, v4;
	(erf) = vpow2.f32 v8;
	_ =	sdelay $0x1  }
0x57: {  	v8 =	vmax.f32 v32, v33  }
0x58: {  	v13 =	vperm.xlane v8, v2;
	_ =	sdelay $0x1  }
0x59: {  	v8 =	vmax.f32 v8, v13  }
0x5a: {  	v13 =	vperm.xlane v8, v1;
	_ =	sdelay $0x1  }
0x5b: {  	vm4 =	veq.f32 v5, v11;
	v8 =	vmax.f32 v8, v13;
	v34 =	vpop (erf)  }
0x5c: {  	v11 =	vnsel vm4, $0x10, v0;
	v10 =	vsub.f32 v8, v10;
	v35 =	vpop (erf)  }
0x5d: {  	v36 =	vperm.xlane v11, v3;
	v5 =	vadd.f32 $1.000000000e+00, v35  }
0x5e: {  	v10 =	vmul.f32 $1.442695020e+00, v10  }
0x5f: {  	vm11 =	vlt.s32 v11, v36;
	vm10 =	veq.f32 v7, v6;
	(erf) = vrcp.f32 v5  }
0x60: {  	v6 =	vsel vm11, v11, v36;
	vm13 =	veq.f32 v12, v9;
	(erf) = vpow2.f32 v10  }
0x61: {  	v7 =	vnsel vm10, $0x10, v0;
	v38 =	vperm.xlane v6, v4;
	v40 =	vnsel vm13, $0x10, v0  }
0x62: {  	v37 =	vperm.xlane v7, v3;
	v41 =	vperm.xlane v40, v3  }
0x63: {  	vm5 =	vlt.s32 v6, v38;
	vm14 =	veq.f32 v14, v8  }
0x64: {  	vm12 =	vlt.s32 v7, v37;
	vm8 =	vlt.s32 v40, v41;
	v42 =	vnsel vm14, $0x10, v0  }
0x65: {  	v6 =	vsel vm5, v6, v38;
	v8 =	vsel vm8, v40, v41;
	v3 =	vperm.xlane v42, v3  }
0x66: {  	v50 =	vsub.f32 $1.000000000e+00, v29;
	v51 =	vnsel vm0, $0x0, v29;
	v44 =	vperm.xlane v8, v4  }
0x67: {  	vm9 =	vlt.s32 v42, v3;
	v5 =	vsel vm12, v7, v37;
	v7 =	vperm.xlane v6, v2  }
0x68: {  	v53 =	vsub.f32 $1.000000000e+00, v34;
	v3 =	vsel vm9, v42, v3;
	vm12 =	vlt.s32 v8, v44;
	v43 =	vpop (erf)  }
0x69: {  	v39 =	vperm.xlane v5, v4;
	v4 =	vperm.xlane v3, v4;
	vm10 =	vlt.s32 v6, v7;
	v45 =	vpop (erf)  }
0x6a: {  	v8 =	vsel vm12, v8, v44;
	v6 =	vsel vm10, v6, v7;
	v7 =	vadd.f32 $1.000000000e+00, v45  }
0x6b: {  	v48 =	vperm.xlane v8, v2;
	vm15 =	vlt.s32 v5, v39;
	vm13 =	vlt.s32 v3, v4  }
0x6c: {  	v5 =	vsel vm15, v5, v39;
	v46 =	vperm.xlane v6, v1;
	(erf) = vrcp.f32 v7  }
0x6d: {  	v3 =	vsel vm13, v3, v4;
	vm8 =	vlt.s32 v8, v48;
	v9 =	vperm.xlane v5, v2  }
0x6e: {  	v54 =	vnsel vm1, $0x0, v34;
	v2 =	vperm.xlane v3, v2;
	v49 =	vsel vm8, v8, v48  }
0x6f: {  	vm14 =	vlt.s32 v6, v46;
	v52 =	vperm.xlane v49, v1;
	vm11 =	vlt.s32 v5, v9  }
0x70: {  	v6 =	vsel vm14, v6, v46;
	vm9 =	vlt.s32 v3, v2;
	v5 =	vsel vm11, v5, v9  }
0x71: {  	v2 =	vsel vm9, v3, v2;
	vm10 =	veq.s32 v6, v0;
	v47 =	vperm.xlane v5, v1  }
0x72: {  	vm12 =	vlt.s32 v49, v52;
	v3 =	vnsel vm10, $0x0, v50;
	v1 =	vperm.xlane v2, v1  }
0x73: {  	v56 =	vadd.f32 v3, v51;
	v57 =	vsub.f32 $1.000000000e+00, v43;
	vm15 =	vlt.s32 v5, v47  }
0x74: {  	v59 =	vnsel vm2, $0x0, v43;
	vm13 =	vlt.s32 v2, v1;
	v4 =	vsel vm15, v5, v47  }
0x75: {  	v5 =	vsel vm12, v49, v52;
	v1 =	vsel vm13, v2, v1;
	vm11 =	veq.s32 v4, v0;
	v58 =	vpop (erf)  }
0x76: {  	vm14 =	veq.s32 v5, v0;
	v55 =	vnsel vm11, $0x0, v53;
	v60 =	vsub.f32 $1.000000000e+00, v58  }
0x77: {  	vm15 =	veq.s32 v1, v0;
	v3 =	vnsel vm14, $0x0, v57;
	v4 =	vadd.f32 v55, v54  }
0x78: {  	[tilespmem:$0x200] =	vst v56;
	v61 =	vadd.f32 v3, v59;
	v62 =	vnsel vm3, $0x0, v58;
	v63 =	vnsel vm15, $0x0, v60  }
0x79: {  	[tilespmem:$0x280] =	vst v4;
	v1 =	vadd.f32 v63, v62  }
0x7a: {  	s3 =	sadd.s32 s5, s3;
	[tilespmem:$0x300] =	vst v61  }
0x7b: {  	s31 =	simm.s32 $0x200;
	s3 =	sadd.s32 $0xC00, s3;
	[tilespmem:$0x380] =	vst v1  }
0x7c: {  	[hbm4b:s3+s2] =	stream.linear.scatter [tilespmem:s31], [sflag:$0x1], $0x200, $0x38;
	[tilespmem:$0x400] =	vst v63  }
0x7d: {  	_ =	swait.ge [sflag:s30], $0x200  }
0x7e: {  	[sflag:s30] =	ssyncset.done $0x0  }
0x7f: {  	[sflag:s30] =	ssyncadd.s32 $0xFFFFFE00  }
0x80: {  	_ =	sfence.sel $0x180000  }
0x81: {  	[bflag:$0x0] =	sbarrier.arrive $0xFFFF  }
0x82: {  	p0 =	sne.s32 s1, $0x0;
	_ =	strace $0x90000047  }
0x83: {  	s0 =	sadd.s32 @!p0 $0x100000, s0;
	[bflag:$0x2] =	sbarrier.arrive $0xFFFF  }
0x84: {  	[sflag:s0] =	ssyncadd.tile.s32 @!p0 $0x1;
	_ =	shalt  }
.Lfunc_end2:
_tile_overlayer_lowered:
.L_overlay_start_2:
0x85: {  	(tag) =	ssettag $0x2  }
0x86: {  	s0 =	rddreg [dreg:$0x0];
	s2 =	stileid.u32  }
0x87: {  	s1 =	rddreg [dreg:$0x1];
	p0 =	sne.s32 s2, $0x0  }
0x88: {  	s3 =	rddreg [dreg:$0x2];
	[bflag:$0x3] =	sbarrier.arrive $0xFFFF;
	s2 =	simm.s32 @!p0 $0x1C01  }
0x89: {  	[timem:s3], [sflag:s2] =	dma.local @!p0 [hbm:s0], s1  }
0x8a: {  	s0 =	simm.s32 @!p0 $0x1  }
0x8b: {  	_ =	swait.ge @!p0 [sflag:s0], s1  }
0x8c: {  	s1 =	ssub.s32 @!p0 $0x0, s1;
	[sflag:s0] =	ssyncset.done @!p0 $0x0  }
0x8d: {  	[sflag:s0] =	ssyncadd.s32 @!p0 s1  }
0x8e: {  	[bflag:$0x3] =	sbarrier.arrive $0xFFFF  }
0x8f: {  	_ =	shalt  }

</sc_bundles>
